<compile_context>
chip_gen: v7x
topology: tpu7x:2x2x1
jax: 0.10.2.dev20260603
libtpu: 0.0.44.dev20260713+nightly
codegen_flags: <defaults>
</compile_context>

<pallas_src>
import functools

import jax
import jax.numpy as jnp
from jax import lax
from jax.experimental import pallas as pl
from jax.experimental.pallas import tpu as pltpu
from jax.experimental.pallas import tpu_sc as plsc

_NC, _NS = 2, 16
_NW = _NC * _NS
_CHUNK = 32
_NBUF = 3


def _make_sc_copy(max_pos, emb_dim, dtype):
    rows_per_w = max_pos // _NW
    n_chunks = rows_per_w // _CHUNK
    mesh = plsc.VectorSubcoreMesh(core_axis_name="c", subcore_axis_name="s")

    @functools.partial(
        pl.kernel,
        mesh=mesh,
        out_type=jax.ShapeDtypeStruct((max_pos, emb_dim), dtype),
        scratch_types=[
            pltpu.VMEM((_NBUF, _CHUNK, emb_dim), dtype),
            pltpu.SemaphoreType.DMA((_NBUF,)),
            pltpu.SemaphoreType.DMA((_NBUF,)),
        ],
    )
    def sc_copy(pe_hbm, out_hbm, buf, in_sems, out_sems):
        wid = lax.axis_index("s") * _NC + lax.axis_index("c")
        base = wid * rows_per_w

        def src(g):
            return pe_hbm.at[pl.ds(base + g * _CHUNK, _CHUNK)]

        def dst(g):
            return out_hbm.at[pl.ds(base + g * _CHUNK, _CHUNK)]

        ins = {}
        outs = {}
        for b in range(min(_NBUF, n_chunks)):
            ins[b] = pltpu.async_copy(src(b), buf.at[b], in_sems.at[b])
        for g in range(n_chunks):
            b = g % _NBUF
            ins[g].wait()
            outs[g] = pltpu.async_copy(buf.at[b], dst(g), out_sems.at[b])
            ng = g + _NBUF
            if ng < n_chunks:
                outs[g].wait()
                ins[ng] = pltpu.async_copy(src(ng), buf.at[b], in_sems.at[b])
        for g in range(max(0, n_chunks - _NBUF), n_chunks):
            outs[g].wait()

    return sc_copy


def kernel(x, pe_table):
    del x
    max_pos, emb_dim = pe_table.shape
    out = _make_sc_copy(max_pos, emb_dim, pe_table.dtype)(pe_table)
    return out[None]

# --- scband reference (transcript-rebuilt; emitter-appended) ---
"""Pipeline reference for scband-learned-positional-encoding-50732153700554 (READ-ONLY COPY).

The authoritative reference and input builder live on the scoring server;
editing this copy changes nothing except your own understanding.
"""

import jax, jax.numpy as jnp
import numpy as np

MAX_POS = 8192
EMB_DIM = 1024
SEQ_LEN = 8192

def setup_inputs(seed: int = 0) -> dict:
    key = jax.random.key(seed)
    k1, k2 = jax.random.split(key)
    x = jax.random.normal(k1, (4, SEQ_LEN, EMB_DIM), dtype=jnp.float32)
    # learned positional embedding table (nn.Embedding weight)
    pe_table = jax.random.normal(k2, (MAX_POS, EMB_DIM), dtype=jnp.float32) * 0.02
    return {"x": x, "pe_table": pe_table}

def reference(x, pe_table):
    # position_ids buffer: arange(seq_length) expanded to (1, seq_length)
    position_ids = jnp.arange(SEQ_LEN, dtype=jnp.int32)[None, :]
    # embedding lookup: pe(position_ids) -> (1, seq_length, embedding_dim)
    position_embeddings = jnp.take(pe_table, position_ids, axis=0)
    return position_embeddings

if __name__ == "__main__":
    import jax
    _d = setup_inputs()
    print(jax.jit(kernel)(*tuple(_d.values())))

</pallas_src>

<mosaic_0001>
#map = affine_map<(d0, d1) -> (0, 0)>
module attributes {stable_mosaic.version = 14 : i64} {
  func.func @sc_copy(%arg0: i32, %arg1: i32, %arg2: memref<8192x1024xf32, #tpu.memory_space<hbm>>, %arg3: memref<8192x1024xf32, #tpu.memory_space<hbm>>, %arg4: memref<3x32x1024xf32, #tpu.memory_space<vmem>>, %arg5: memref<3x!tpu.dma_semaphore, #tpu.memory_space<semaphore_mem>>, %arg6: memref<3x!tpu.dma_semaphore, #tpu.memory_space<semaphore_mem>>) attributes {dimension_semantics = [#tpu.dimension_semantics<core_parallel>, #tpu.dimension_semantics<subcore_parallel>], iteration_bounds = array<i64: 2, 16>, scalar_prefetch = 0 : i64, scratch_operands = 3 : i64, tpu.core_type = #tpu.core_type<sc_vector_subcore>, window_params = [{transform_indices = #map}, {transform_indices = #map}]} {
    %mul3A = arith.constant 2 : i32
    %mul3A_0 = arith.muli %arg1, %mul3A : i32
    %add3A = arith.addi %mul3A_0, %arg0 : i32
    %mul3A_1 = arith.constant 256 : i32
    %mul3A_2 = arith.muli %add3A, %mul3A_1 : i32
    %add3A_3 = arith.constant 0 : i32
    %add3A_4 = arith.addi %mul3A_2, %add3A_3 : i32
    %dma_start3A = arith.constant 0 : i32
    %dma_start3A_5 = arith.constant 0 : i32
    %dma_start3A_6 = arith.constant 0 : i32
    %dma_start3A_7 = arith.constant 0 : i32
    %dma_start3A_8 = tpu.memref_slice %arg4[%dma_start3A, %dma_start3A_6, %dma_start3A_7] : memref<3x32x1024xf32, #tpu.memory_space<vmem>> -> memref<1x32x1024xf32, #tpu.memory_space<vmem>>
    %dma_start3A_9 = tpu.memref_squeeze %dma_start3A_8 : memref<1x32x1024xf32, #tpu.memory_space<vmem>> -> memref<32x1024xf32, #tpu.memory_space<vmem>>
    %dma_start3A_10 = arith.constant 0 : i32
    %dma_start3A_11 = tpu.memref_slice %arg2[%add3A_4, %dma_start3A_10] : memref<8192x1024xf32, #tpu.memory_space<hbm>> -> memref<32x1024xf32, #tpu.memory_space<hbm>>
    %dma_start3A_12 = tpu.memref_slice %arg5[%dma_start3A_5] : memref<3x!tpu.dma_semaphore, #tpu.memory_space<semaphore_mem>> -> memref<1x!tpu.dma_semaphore, #tpu.memory_space<semaphore_mem>>
    %dma_start3A_13 = tpu.memref_squeeze %dma_start3A_12 : memref<1x!tpu.dma_semaphore, #tpu.memory_space<semaphore_mem>> -> memref<!tpu.dma_semaphore, #tpu.memory_space<semaphore_mem>>
    %dma_start3A_14 = arith.constant 0 : i32
    %dma_start3A_15 = arith.constant 0 : i32
    %dma_start3A_16 = tpu.memref_slice %arg4[%dma_start3A, %dma_start3A_14, %dma_start3A_15] : memref<3x32x1024xf32, #tpu.memory_space<vmem>> -> memref<1x32x1024xf32, #tpu.memory_space<vmem>>
    %dma_start3A_17 = tpu.memref_squeeze %dma_start3A_16 : memref<1x32x1024xf32, #tpu.memory_space<vmem>> -> memref<32x1024xf32, #tpu.memory_space<vmem>>
    %dma_start3A_18 = arith.constant 0 : i32
    %dma_start3A_19 = tpu.memref_slice %arg2[%add3A_4, %dma_start3A_18] : memref<8192x1024xf32, #tpu.memory_space<hbm>> -> memref<32x1024xf32, #tpu.memory_space<hbm>>
    tpu.enqueue_dma source(%dma_start3A_19 : memref<32x1024xf32, #tpu.memory_space<hbm>>) target(%dma_start3A_17 : memref<32x1024xf32, #tpu.memory_space<vmem>>) target_semaphore(%dma_start3A_13 : memref<!tpu.dma_semaphore, #tpu.memory_space<semaphore_mem>>)
    %add3A_20 = arith.constant 32 : i32
    %add3A_21 = arith.addi %mul3A_2, %add3A_20 : i32
    %dma_start3A_22 = arith.constant 1 : i32
    %dma_start3A_23 = arith.constant 1 : i32
    %dma_start3A_24 = arith.constant 0 : i32
    %dma_start3A_25 = arith.constant 0 : i32
    %dma_start3A_26 = tpu.memref_slice %arg4[%dma_start3A_22, %dma_start3A_24, %dma_start3A_25] : memref<3x32x1024xf32, #tpu.memory_space<vmem>> -> memref<1x32x1024xf32, #tpu.memory_space<vmem>>
    %dma_start3A_27 = tpu.memref_squeeze %dma_start3A_26 : memref<1x32x1024xf32, #tpu.memory_space<vmem>> -> memref<32x1024xf32, #tpu.memory_space<vmem>>
    %dma_start3A_28 = arith.constant 0 : i32
    %dma_start3A_29 = tpu.memref_slice %arg2[%add3A_21, %dma_start3A_28] : memref<8192x1024xf32, #tpu.memory_space<hbm>> -> memref<32x1024xf32, #tpu.memory_space<hbm>>
    %dma_start3A_30 = tpu.memref_slice %arg5[%dma_start3A_23] : memref<3x!tpu.dma_semaphore, #tpu.memory_space<semaphore_mem>> -> memref<1x!tpu.dma_semaphore, #tpu.memory_space<semaphore_mem>>
    %dma_start3A_31 = tpu.memref_squeeze %dma_start3A_30 : memref<1x!tpu.dma_semaphore, #tpu.memory_space<semaphore_mem>> -> memref<!tpu.dma_semaphore, #tpu.memory_space<semaphore_mem>>
    %dma_start3A_32 = arith.constant 0 : i32
    %dma_start3A_33 = arith.constant 0 : i32
    %dma_start3A_34 = tpu.memref_slice %arg4[%dma_start3A_22, %dma_start3A_32, %dma_start3A_33] : memref<3x32x1024xf32, #tpu.memory_space<vmem>> -> memref<1x32x1024xf32, #tpu.memory_space<vmem>>
    %dma_start3A_35 = tpu.memref_squeeze %dma_start3A_34 : memref<1x32x1024xf32, #tpu.memory_space<vmem>> -> memref<32x1024xf32, #tpu.memory_space<vmem>>
    %dma_start3A_36 = arith.constant 0 : i32
    %dma_start3A_37 = tpu.memref_slice %arg2[%add3A_21, %dma_start3A_36] : memref<8192x1024xf32, #tpu.memory_space<hbm>> -> memref<32x1024xf32, #tpu.memory_space<hbm>>
    tpu.enqueue_dma source(%dma_start3A_37 : memref<32x1024xf32, #tpu.memory_space<hbm>>) target(%dma_start3A_35 : memref<32x1024xf32, #tpu.memory_space<vmem>>) target_semaphore(%dma_start3A_31 : memref<!tpu.dma_semaphore, #tpu.memory_space<semaphore_mem>>)
    %add3A_38 = arith.constant 64 : i32
    %add3A_39 = arith.addi %mul3A_2, %add3A_38 : i32
    %dma_start3A_40 = arith.constant 2 : i32
    %dma_start3A_41 = arith.constant 2 : i32
    %dma_start3A_42 = arith.constant 0 : i32
    %dma_start3A_43 = arith.constant 0 : i32
    %dma_start3A_44 = tpu.memref_slice %arg4[%dma_start3A_40, %dma_start3A_42, %dma_start3A_43] : memref<3x32x1024xf32, #tpu.memory_space<vmem>> -> memref<1x32x1024xf32, #tpu.memory_space<vmem>>
    %dma_start3A_45 = tpu.memref_squeeze %dma_start3A_44 : memref<1x32x1024xf32, #tpu.memory_space<vmem>> -> memref<32x1024xf32, #tpu.memory_space<vmem>>
    %dma_start3A_46 = arith.constant 0 : i32
    %dma_start3A_47 = tpu.memref_slice %arg2[%add3A_39, %dma_start3A_46] : memref<8192x1024xf32, #tpu.memory_space<hbm>> -> memref<32x1024xf32, #tpu.memory_space<hbm>>
    %dma_start3A_48 = tpu.memref_slice %arg5[%dma_start3A_41] : memref<3x!tpu.dma_semaphore, #tpu.memory_space<semaphore_mem>> -> memref<1x!tpu.dma_semaphore, #tpu.memory_space<semaphore_mem>>
    %dma_start3A_49 = tpu.memref_squeeze %dma_start3A_48 : memref<1x!tpu.dma_semaphore, #tpu.memory_space<semaphore_mem>> -> memref<!tpu.dma_semaphore, #tpu.memory_space<semaphore_mem>>
    %dma_start3A_50 = arith.constant 0 : i32
    %dma_start3A_51 = arith.constant 0 : i32
    %dma_start3A_52 = tpu.memref_slice %arg4[%dma_start3A_40, %dma_start3A_50, %dma_start3A_51] : memref<3x32x1024xf32, #tpu.memory_space<vmem>> -> memref<1x32x1024xf32, #tpu.memory_space<vmem>>
    %dma_start3A_53 = tpu.memref_squeeze %dma_start3A_52 : memref<1x32x1024xf32, #tpu.memory_space<vmem>> -> memref<32x1024xf32, #tpu.memory_space<vmem>>
    %dma_start3A_54 = arith.constant 0 : i32
    %dma_start3A_55 = tpu.memref_slice %arg2[%add3A_39, %dma_start3A_54] : memref<8192x1024xf32, #tpu.memory_space<hbm>> -> memref<32x1024xf32, #tpu.memory_space<hbm>>
    tpu.enqueue_dma source(%dma_start3A_55 : memref<32x1024xf32, #tpu.memory_space<hbm>>) target(%dma_start3A_53 : memref<32x1024xf32, #tpu.memory_space<vmem>>) target_semaphore(%dma_start3A_49 : memref<!tpu.dma_semaphore, #tpu.memory_space<semaphore_mem>>)
    %dma_wait3A = arith.constant 0 : i32
    %dma_wait3A_56 = arith.constant 0 : i32
    %dma_wait3A_57 = arith.constant 0 : i32
    %dma_wait3A_58 = arith.constant 0 : i32
    %dma_wait3A_59 = tpu.memref_slice %arg4[%dma_wait3A, %dma_wait3A_57, %dma_wait3A_58] : memref<3x32x1024xf32, #tpu.memory_space<vmem>> -> memref<1x32x1024xf32, #tpu.memory_space<vmem>>
    %dma_wait3A_60 = tpu.memref_squeeze %dma_wait3A_59 : memref<1x32x1024xf32, #tpu.memory_space<vmem>> -> memref<32x1024xf32, #tpu.memory_space<vmem>>
    %dma_wait3A_61 = arith.constant 0 : i32
    %dma_wait3A_62 = tpu.memref_slice %arg2[%add3A_4, %dma_wait3A_61] : memref<8192x1024xf32, #tpu.memory_space<hbm>> -> memref<32x1024xf32, #tpu.memory_space<hbm>>
    %dma_wait3A_63 = tpu.memref_slice %arg5[%dma_wait3A_56] : memref<3x!tpu.dma_semaphore, #tpu.memory_space<semaphore_mem>> -> memref<1x!tpu.dma_semaphore, #tpu.memory_space<semaphore_mem>>
    %dma_wait3A_64 = tpu.memref_squeeze %dma_wait3A_63 : memref<1x!tpu.dma_semaphore, #tpu.memory_space<semaphore_mem>> -> memref<!tpu.dma_semaphore, #tpu.memory_space<semaphore_mem>>
    %dma_wait3A_65 = arith.constant 0 : i32
    %dma_wait3A_66 = arith.constant 0 : i32
    %dma_wait3A_67 = tpu.memref_slice %arg4[%dma_wait3A, %dma_wait3A_65, %dma_wait3A_66] : memref<3x32x1024xf32, #tpu.memory_space<vmem>> -> memref<1x32x1024xf32, #tpu.memory_space<vmem>>
    %dma_wait3A_68 = tpu.memref_squeeze %dma_wait3A_67 : memref<1x32x1024xf32, #tpu.memory_space<vmem>> -> memref<32x1024xf32, #tpu.memory_space<vmem>>
    %dma_wait3A_69 = arith.constant 0 : i32
    %dma_wait3A_70 = tpu.memref_slice %arg2[%add3A_4, %dma_wait3A_69] : memref<8192x1024xf32, #tpu.memory_space<hbm>> -> memref<32x1024xf32, #tpu.memory_space<hbm>>
    tpu.wait_dma2 semaphore(%dma_wait3A_64 : memref<!tpu.dma_semaphore, #tpu.memory_space<semaphore_mem>>) src(%dma_wait3A_70 : memref<32x1024xf32, #tpu.memory_space<hbm>>) dst(%dma_wait3A_68 : memref<32x1024xf32, #tpu.memory_space<vmem>>)
    %add3A_71 = arith.constant 0 : i32
    %add3A_72 = arith.addi %mul3A_2, %add3A_71 : i32
    %dma_start3A_73 = arith.constant 0 : i32
    %dma_start3A_74 = arith.constant 0 : i32
    %dma_start3A_75 = arith.constant 0 : i32
    %dma_start3A_76 = arith.constant 0 : i32
    %dma_start3A_77 = tpu.memref_slice %arg4[%dma_start3A_73, %dma_start3A_75, %dma_start3A_76] : memref<3x32x1024xf32, #tpu.memory_space<vmem>> -> memref<1x32x1024xf32, #tpu.memory_space<vmem>>
    %dma_start3A_78 = tpu.memref_squeeze %dma_start3A_77 : memref<1x32x1024xf32, #tpu.memory_space<vmem>> -> memref<32x1024xf32, #tpu.memory_space<vmem>>
    %dma_start3A_79 = arith.constant 0 : i32
    %dma_start3A_80 = tpu.memref_slice %arg3[%add3A_72, %dma_start3A_79] : memref<8192x1024xf32, #tpu.memory_space<hbm>> -> memref<32x1024xf32, #tpu.memory_space<hbm>>
    %dma_start3A_81 = tpu.memref_slice %arg6[%dma_start3A_74] : memref<3x!tpu.dma_semaphore, #tpu.memory_space<semaphore_mem>> -> memref<1x!tpu.dma_semaphore, #tpu.memory_space<semaphore_mem>>
    %dma_start3A_82 = tpu.memref_squeeze %dma_start3A_81 : memref<1x!tpu.dma_semaphore, #tpu.memory_space<semaphore_mem>> -> memref<!tpu.dma_semaphore, #tpu.memory_space<semaphore_mem>>
    %dma_start3A_83 = arith.constant 0 : i32
    %dma_start3A_84 = tpu.memref_slice %arg3[%add3A_72, %dma_start3A_83] : memref<8192x1024xf32, #tpu.memory_space<hbm>> -> memref<32x1024xf32, #tpu.memory_space<hbm>>
    %dma_start3A_85 = arith.constant 0 : i32
    %dma_start3A_86 = arith.constant 0 : i32
    %dma_start3A_87 = tpu.memref_slice %arg4[%dma_start3A_73, %dma_start3A_85, %dma_start3A_86] : memref<3x32x1024xf32, #tpu.memory_space<vmem>> -> memref<1x32x1024xf32, #tpu.memory_space<vmem>>
    %dma_start3A_88 = tpu.memref_squeeze %dma_start3A_87 : memref<1x32x1024xf32, #tpu.memory_space<vmem>> -> memref<32x1024xf32, #tpu.memory_space<vmem>>
    tpu.enqueue_dma source(%dma_start3A_88 : memref<32x1024xf32, #tpu.memory_space<vmem>>) target(%dma_start3A_84 : memref<32x1024xf32, #tpu.memory_space<hbm>>) target_semaphore(%dma_start3A_82 : memref<!tpu.dma_semaphore, #tpu.memory_space<semaphore_mem>>)
    %dma_wait3A_89 = arith.constant 0 : i32
    %dma_wait3A_90 = arith.constant 0 : i32
    %dma_wait3A_91 = arith.constant 0 : i32
    %dma_wait3A_92 = arith.constant 0 : i32
    %dma_wait3A_93 = tpu.memref_slice %arg4[%dma_wait3A_89, %dma_wait3A_91, %dma_wait3A_92] : memref<3x32x1024xf32, #tpu.memory_space<vmem>> -> memref<1x32x1024xf32, #tpu.memory_space<vmem>>
    %dma_wait3A_94 = tpu.memref_squeeze %dma_wait3A_93 : memref<1x32x1024xf32, #tpu.memory_space<vmem>> -> memref<32x1024xf32, #tpu.memory_space<vmem>>
    %dma_wait3A_95 = arith.constant 0 : i32
    %dma_wait3A_96 = tpu.memref_slice %arg3[%add3A_72, %dma_wait3A_95] : memref<8192x1024xf32, #tpu.memory_space<hbm>> -> memref<32x1024xf32, #tpu.memory_space<hbm>>
    %dma_wait3A_97 = tpu.memref_slice %arg6[%dma_wait3A_90] : memref<3x!tpu.dma_semaphore, #tpu.memory_space<semaphore_mem>> -> memref<1x!tpu.dma_semaphore, #tpu.memory_space<semaphore_mem>>
    %dma_wait3A_98 = tpu.memref_squeeze %dma_wait3A_97 : memref<1x!tpu.dma_semaphore, #tpu.memory_space<semaphore_mem>> -> memref<!tpu.dma_semaphore, #tpu.memory_space<semaphore_mem>>
    %dma_wait3A_99 = arith.constant 0 : i32
    %dma_wait3A_100 = tpu.memref_slice %arg3[%add3A_72, %dma_wait3A_99] : memref<8192x1024xf32, #tpu.memory_space<hbm>> -> memref<32x1024xf32, #tpu.memory_space<hbm>>
    %dma_wait3A_101 = arith.constant 0 : i32
    %dma_wait3A_102 = arith.constant 0 : i32
    %dma_wait3A_103 = tpu.memref_slice %arg4[%dma_wait3A_89, %dma_wait3A_101, %dma_wait3A_102] : memref<3x32x1024xf32, #tpu.memory_space<vmem>> -> memref<1x32x1024xf32, #tpu.memory_space<vmem>>
    %dma_wait3A_104 = tpu.memref_squeeze %dma_wait3A_103 : memref<1x32x1024xf32, #tpu.memory_space<vmem>> -> memref<32x1024xf32, #tpu.memory_space<vmem>>
    tpu.wait_dma2 semaphore(%dma_wait3A_98 : memref<!tpu.dma_semaphore, #tpu.memory_space<semaphore_mem>>) src(%dma_wait3A_104 : memref<32x1024xf32, #tpu.memory_space<vmem>>) dst(%dma_wait3A_100 : memref<32x1024xf32, #tpu.memory_space<hbm>>)
    %add3A_105 = arith.constant 96 : i32
    %add3A_106 = arith.addi %mul3A_2, %add3A_105 : i32
    %dma_start3A_107 = arith.constant 0 : i32
    %dma_start3A_108 = arith.constant 0 : i32
    %dma_start3A_109 = arith.constant 0 : i32
    %dma_start3A_110 = arith.constant 0 : i32
    %dma_start3A_111 = tpu.memref_slice %arg4[%dma_start3A_107, %dma_start3A_109, %dma_start3A_110] : memref<3x32x1024xf32, #tpu.memory_space<vmem>> -> memref<1x32x1024xf32, #tpu.memory_space<vmem>>
    %dma_start3A_112 = tpu.memref_squeeze %dma_start3A_111 : memref<1x32x1024xf32, #tpu.memory_space<vmem>> -> memref<32x1024xf32, #tpu.memory_space<vmem>>
    %dma_start3A_113 = arith.constant 0 : i32
    %dma_start3A_114 = tpu.memref_slice %arg2[%add3A_106, %dma_start3A_113] : memref<8192x1024xf32, #tpu.memory_space<hbm>> -> memref<32x1024xf32, #tpu.memory_space<hbm>>
    %dma_start3A_115 = tpu.memref_slice %arg5[%dma_start3A_108] : memref<3x!tpu.dma_semaphore, #tpu.memory_space<semaphore_mem>> -> memref<1x!tpu.dma_semaphore, #tpu.memory_space<semaphore_mem>>
    %dma_start3A_116 = tpu.memref_squeeze %dma_start3A_115 : memref<1x!tpu.dma_semaphore, #tpu.memory_space<semaphore_mem>> -> memref<!tpu.dma_semaphore, #tpu.memory_space<semaphore_mem>>
    %dma_start3A_117 = arith.constant 0 : i32
    %dma_start3A_118 = arith.constant 0 : i32
    %dma_start3A_119 = tpu.memref_slice %arg4[%dma_start3A_107, %dma_start3A_117, %dma_start3A_118] : memref<3x32x1024xf32, #tpu.memory_space<vmem>> -> memref<1x32x1024xf32, #tpu.memory_space<vmem>>
    %dma_start3A_120 = tpu.memref_squeeze %dma_start3A_119 : memref<1x32x1024xf32, #tpu.memory_space<vmem>> -> memref<32x1024xf32, #tpu.memory_space<vmem>>
    %dma_start3A_121 = arith.constant 0 : i32
    %dma_start3A_122 = tpu.memref_slice %arg2[%add3A_106, %dma_start3A_121] : memref<8192x1024xf32, #tpu.memory_space<hbm>> -> memref<32x1024xf32, #tpu.memory_space<hbm>>
    tpu.enqueue_dma source(%dma_start3A_122 : memref<32x1024xf32, #tpu.memory_space<hbm>>) target(%dma_start3A_120 : memref<32x1024xf32, #tpu.memory_space<vmem>>) target_semaphore(%dma_start3A_116 : memref<!tpu.dma_semaphore, #tpu.memory_space<semaphore_mem>>)
    %dma_wait3A_123 = arith.constant 1 : i32
    %dma_wait3A_124 = arith.constant 1 : i32
    %dma_wait3A_125 = arith.constant 0 : i32
    %dma_wait3A_126 = arith.constant 0 : i32
    %dma_wait3A_127 = tpu.memref_slice %arg4[%dma_wait3A_123, %dma_wait3A_125, %dma_wait3A_126] : memref<3x32x1024xf32, #tpu.memory_space<vmem>> -> memref<1x32x1024xf32, #tpu.memory_space<vmem>>
    %dma_wait3A_128 = tpu.memref_squeeze %dma_wait3A_127 : memref<1x32x1024xf32, #tpu.memory_space<vmem>> -> memref<32x1024xf32, #tpu.memory_space<vmem>>
    %dma_wait3A_129 = arith.constant 0 : i32
    %dma_wait3A_130 = tpu.memref_slice %arg2[%add3A_21, %dma_wait3A_129] : memref<8192x1024xf32, #tpu.memory_space<hbm>> -> memref<32x1024xf32, #tpu.memory_space<hbm>>
    %dma_wait3A_131 = tpu.memref_slice %arg5[%dma_wait3A_124] : memref<3x!tpu.dma_semaphore, #tpu.memory_space<semaphore_mem>> -> memref<1x!tpu.dma_semaphore, #tpu.memory_space<semaphore_mem>>
    %dma_wait3A_132 = tpu.memref_squeeze %dma_wait3A_131 : memref<1x!tpu.dma_semaphore, #tpu.memory_space<semaphore_mem>> -> memref<!tpu.dma_semaphore, #tpu.memory_space<semaphore_mem>>
    %dma_wait3A_133 = arith.constant 0 : i32
    %dma_wait3A_134 = arith.constant 0 : i32
    %dma_wait3A_135 = tpu.memref_slice %arg4[%dma_wait3A_123, %dma_wait3A_133, %dma_wait3A_134] : memref<3x32x1024xf32, #tpu.memory_space<vmem>> -> memref<1x32x1024xf32, #tpu.memory_space<vmem>>
    %dma_wait3A_136 = tpu.memref_squeeze %dma_wait3A_135 : memref<1x32x1024xf32, #tpu.memory_space<vmem>> -> memref<32x1024xf32, #tpu.memory_space<vmem>>
    %dma_wait3A_137 = arith.constant 0 : i32
    %dma_wait3A_138 = tpu.memref_slice %arg2[%add3A_21, %dma_wait3A_137] : memref<8192x1024xf32, #tpu.memory_space<hbm>> -> memref<32x1024xf32, #tpu.memory_space<hbm>>
    tpu.wait_dma2 semaphore(%dma_wait3A_132 : memref<!tpu.dma_semaphore, #tpu.memory_space<semaphore_mem>>) src(%dma_wait3A_138 : memref<32x1024xf32, #tpu.memory_space<hbm>>) dst(%dma_wait3A_136 : memref<32x1024xf32, #tpu.memory_space<vmem>>)
    %add3A_139 = arith.constant 32 : i32
    %add3A_140 = arith.addi %mul3A_2, %add3A_139 : i32
    %dma_start3A_141 = arith.constant 1 : i32
    %dma_start3A_142 = arith.constant 1 : i32
    %dma_start3A_143 = arith.constant 0 : i32
    %dma_start3A_144 = arith.constant 0 : i32
    %dma_start3A_145 = tpu.memref_slice %arg4[%dma_start3A_141, %dma_start3A_143, %dma_start3A_144] : memref<3x32x1024xf32, #tpu.memory_space<vmem>> -> memref<1x32x1024xf32, #tpu.memory_space<vmem>>
    %dma_start3A_146 = tpu.memref_squeeze %dma_start3A_145 : memref<1x32x1024xf32, #tpu.memory_space<vmem>> -> memref<32x1024xf32, #tpu.memory_space<vmem>>
    %dma_start3A_147 = arith.constant 0 : i32
    %dma_start3A_148 = tpu.memref_slice %arg3[%add3A_140, %dma_start3A_147] : memref<8192x1024xf32, #tpu.memory_space<hbm>> -> memref<32x1024xf32, #tpu.memory_space<hbm>>
    %dma_start3A_149 = tpu.memref_slice %arg6[%dma_start3A_142] : memref<3x!tpu.dma_semaphore, #tpu.memory_space<semaphore_mem>> -> memref<1x!tpu.dma_semaphore, #tpu.memory_space<semaphore_mem>>
    %dma_start3A_150 = tpu.memref_squeeze %dma_start3A_149 : memref<1x!tpu.dma_semaphore, #tpu.memory_space<semaphore_mem>> -> memref<!tpu.dma_semaphore, #tpu.memory_space<semaphore_mem>>
    %dma_start3A_151 = arith.constant 0 : i32
    %dma_start3A_152 = tpu.memref_slice %arg3[%add3A_140, %dma_start3A_151] : memref<8192x1024xf32, #tpu.memory_space<hbm>> -> memref<32x1024xf32, #tpu.memory_space<hbm>>
    %dma_start3A_153 = arith.constant 0 : i32
    %dma_start3A_154 = arith.constant 0 : i32
    %dma_start3A_155 = tpu.memref_slice %arg4[%dma_start3A_141, %dma_start3A_153, %dma_start3A_154] : memref<3x32x1024xf32, #tpu.memory_space<vmem>> -> memref<1x32x1024xf32, #tpu.memory_space<vmem>>
    %dma_start3A_156 = tpu.memref_squeeze %dma_start3A_155 : memref<1x32x1024xf32, #tpu.memory_space<vmem>> -> memref<32x1024xf32, #tpu.memory_space<vmem>>
    tpu.enqueue_dma source(%dma_start3A_156 : memref<32x1024xf32, #tpu.memory_space<vmem>>) target(%dma_start3A_152 : memref<32x1024xf32, #tpu.memory_space<hbm>>) target_semaphore(%dma_start3A_150 : memref<!tpu.dma_semaphore, #tpu.memory_space<semaphore_mem>>)
    %dma_wait3A_157 = arith.constant 1 : i32
    %dma_wait3A_158 = arith.constant 1 : i32
    %dma_wait3A_159 = arith.constant 0 : i32
    %dma_wait3A_160 = arith.constant 0 : i32
    %dma_wait3A_161 = tpu.memref_slice %arg4[%dma_wait3A_157, %dma_wait3A_159, %dma_wait3A_160] : memref<3x32x1024xf32, #tpu.memory_space<vmem>> -> memref<1x32x1024xf32, #tpu.memory_space<vmem>>
    %dma_wait3A_162 = tpu.memref_squeeze %dma_wait3A_161 : memref<1x32x1024xf32, #tpu.memory_space<vmem>> -> memref<32x1024xf32, #tpu.memory_space<vmem>>
    %dma_wait3A_163 = arith.constant 0 : i32
    %dma_wait3A_164 = tpu.memref_slice %arg3[%add3A_140, %dma_wait3A_163] : memref<8192x1024xf32, #tpu.memory_space<hbm>> -> memref<32x1024xf32, #tpu.memory_space<hbm>>
    %dma_wait3A_165 = tpu.memref_slice %arg6[%dma_wait3A_158] : memref<3x!tpu.dma_semaphore, #tpu.memory_space<semaphore_mem>> -> memref<1x!tpu.dma_semaphore, #tpu.memory_space<semaphore_mem>>
    %dma_wait3A_166 = tpu.memref_squeeze %dma_wait3A_165 : memref<1x!tpu.dma_semaphore, #tpu.memory_space<semaphore_mem>> -> memref<!tpu.dma_semaphore, #tpu.memory_space<semaphore_mem>>
    %dma_wait3A_167 = arith.constant 0 : i32
    %dma_wait3A_168 = tpu.memref_slice %arg3[%add3A_140, %dma_wait3A_167] : memref<8192x1024xf32, #tpu.memory_space<hbm>> -> memref<32x1024xf32, #tpu.memory_space<hbm>>
    %dma_wait3A_169 = arith.constant 0 : i32
    %dma_wait3A_170 = arith.constant 0 : i32
    %dma_wait3A_171 = tpu.memref_slice %arg4[%dma_wait3A_157, %dma_wait3A_169, %dma_wait3A_170] : memref<3x32x1024xf32, #tpu.memory_space<vmem>> -> memref<1x32x1024xf32, #tpu.memory_space<vmem>>
    %dma_wait3A_172 = tpu.memref_squeeze %dma_wait3A_171 : memref<1x32x1024xf32, #tpu.memory_space<vmem>> -> memref<32x1024xf32, #tpu.memory_space<vmem>>
    tpu.wait_dma2 semaphore(%dma_wait3A_166 : memref<!tpu.dma_semaphore, #tpu.memory_space<semaphore_mem>>) src(%dma_wait3A_172 : memref<32x1024xf32, #tpu.memory_space<vmem>>) dst(%dma_wait3A_168 : memref<32x1024xf32, #tpu.memory_space<hbm>>)
    %add3A_173 = arith.constant 128 : i32
    %add3A_174 = arith.addi %mul3A_2, %add3A_173 : i32
    %dma_start3A_175 = arith.constant 1 : i32
    %dma_start3A_176 = arith.constant 1 : i32
    %dma_start3A_177 = arith.constant 0 : i32
    %dma_start3A_178 = arith.constant 0 : i32
    %dma_start3A_179 = tpu.memref_slice %arg4[%dma_start3A_175, %dma_start3A_177, %dma_start3A_178] : memref<3x32x1024xf32, #tpu.memory_space<vmem>> -> memref<1x32x1024xf32, #tpu.memory_space<vmem>>
    %dma_start3A_180 = tpu.memref_squeeze %dma_start3A_179 : memref<1x32x1024xf32, #tpu.memory_space<vmem>> -> memref<32x1024xf32, #tpu.memory_space<vmem>>
    %dma_start3A_181 = arith.constant 0 : i32
    %dma_start3A_182 = tpu.memref_slice %arg2[%add3A_174, %dma_start3A_181] : memref<8192x1024xf32, #tpu.memory_space<hbm>> -> memref<32x1024xf32, #tpu.memory_space<hbm>>
    %dma_start3A_183 = tpu.memref_slice %arg5[%dma_start3A_176] : memref<3x!tpu.dma_semaphore, #tpu.memory_space<semaphore_mem>> -> memref<1x!tpu.dma_semaphore, #tpu.memory_space<semaphore_mem>>
    %dma_start3A_184 = tpu.memref_squeeze %dma_start3A_183 : memref<1x!tpu.dma_semaphore, #tpu.memory_space<semaphore_mem>> -> memref<!tpu.dma_semaphore, #tpu.memory_space<semaphore_mem>>
    %dma_start3A_185 = arith.constant 0 : i32
    %dma_start3A_186 = arith.constant 0 : i32
    %dma_start3A_187 = tpu.memref_slice %arg4[%dma_start3A_175, %dma_start3A_185, %dma_start3A_186] : memref<3x32x1024xf32, #tpu.memory_space<vmem>> -> memref<1x32x1024xf32, #tpu.memory_space<vmem>>
    %dma_start3A_188 = tpu.memref_squeeze %dma_start3A_187 : memref<1x32x1024xf32, #tpu.memory_space<vmem>> -> memref<32x1024xf32, #tpu.memory_space<vmem>>
    %dma_start3A_189 = arith.constant 0 : i32
    %dma_start3A_190 = tpu.memref_slice %arg2[%add3A_174, %dma_start3A_189] : memref<8192x1024xf32, #tpu.memory_space<hbm>> -> memref<32x1024xf32, #tpu.memory_space<hbm>>
    tpu.enqueue_dma source(%dma_start3A_190 : memref<32x1024xf32, #tpu.memory_space<hbm>>) target(%dma_start3A_188 : memref<32x1024xf32, #tpu.memory_space<vmem>>) target_semaphore(%dma_start3A_184 : memref<!tpu.dma_semaphore, #tpu.memory_space<semaphore_mem>>)
    %dma_wait3A_191 = arith.constant 2 : i32
    %dma_wait3A_192 = arith.constant 2 : i32
    %dma_wait3A_193 = arith.constant 0 : i32
    %dma_wait3A_194 = arith.constant 0 : i32
    %dma_wait3A_195 = tpu.memref_slice %arg4[%dma_wait3A_191, %dma_wait3A_193, %dma_wait3A_194] : memref<3x32x1024xf32, #tpu.memory_space<vmem>> -> memref<1x32x1024xf32, #tpu.memory_space<vmem>>
    %dma_wait3A_196 = tpu.memref_squeeze %dma_wait3A_195 : memref<1x32x1024xf32, #tpu.memory_space<vmem>> -> memref<32x1024xf32, #tpu.memory_space<vmem>>
    %dma_wait3A_197 = arith.constant 0 : i32
    %dma_wait3A_198 = tpu.memref_slice %arg2[%add3A_39, %dma_wait3A_197] : memref<8192x1024xf32, #tpu.memory_space<hbm>> -> memref<32x1024xf32, #tpu.memory_space<hbm>>
    %dma_wait3A_199 = tpu.memref_slice %arg5[%dma_wait3A_192] : memref<3x!tpu.dma_semaphore, #tpu.memory_space<semaphore_mem>> -> memref<1x!tpu.dma_semaphore, #tpu.memory_space<semaphore_mem>>
    %dma_wait3A_200 = tpu.memref_squeeze %dma_wait3A_199 : memref<1x!tpu.dma_semaphore, #tpu.memory_space<semaphore_mem>> -> memref<!tpu.dma_semaphore, #tpu.memory_space<semaphore_mem>>
    %dma_wait3A_201 = arith.constant 0 : i32
    %dma_wait3A_202 = arith.constant 0 : i32
    %dma_wait3A_203 = tpu.memref_slice %arg4[%dma_wait3A_191, %dma_wait3A_201, %dma_wait3A_202] : memref<3x32x1024xf32, #tpu.memory_space<vmem>> -> memref<1x32x1024xf32, #tpu.memory_space<vmem>>
    %dma_wait3A_204 = tpu.memref_squeeze %dma_wait3A_203 : memref<1x32x1024xf32, #tpu.memory_space<vmem>> -> memref<32x1024xf32, #tpu.memory_space<vmem>>
    %dma_wait3A_205 = arith.constant 0 : i32
    %dma_wait3A_206 = tpu.memref_slice %arg2[%add3A_39, %dma_wait3A_205] : memref<8192x1024xf32, #tpu.memory_space<hbm>> -> memref<32x1024xf32, #tpu.memory_space<hbm>>
    tpu.wait_dma2 semaphore(%dma_wait3A_200 : memref<!tpu.dma_semaphore, #tpu.memory_space<semaphore_mem>>) src(%dma_wait3A_206 : memref<32x1024xf32, #tpu.memory_space<hbm>>) dst(%dma_wait3A_204 : memref<32x1024xf32, #tpu.memory_space<vmem>>)
    %add3A_207 = arith.constant 64 : i32
    %add3A_208 = arith.addi %mul3A_2, %add3A_207 : i32
    %dma_start3A_209 = arith.constant 2 : i32
    %dma_start3A_210 = arith.constant 2 : i32
    %dma_start3A_211 = arith.constant 0 : i32
    %dma_start3A_212 = arith.constant 0 : i32
    %dma_start3A_213 = tpu.memref_slice %arg4[%dma_start3A_209, %dma_start3A_211, %dma_start3A_212] : memref<3x32x1024xf32, #tpu.memory_space<vmem>> -> memref<1x32x1024xf32, #tpu.memory_space<vmem>>
    %dma_start3A_214 = tpu.memref_squeeze %dma_start3A_213 : memref<1x32x1024xf32, #tpu.memory_space<vmem>> -> memref<32x1024xf32, #tpu.memory_space<vmem>>
    %dma_start3A_215 = arith.constant 0 : i32
    %dma_start3A_216 = tpu.memref_slice %arg3[%add3A_208, %dma_start3A_215] : memref<8192x1024xf32, #tpu.memory_space<hbm>> -> memref<32x1024xf32, #tpu.memory_space<hbm>>
    %dma_start3A_217 = tpu.memref_slice %arg6[%dma_start3A_210] : memref<3x!tpu.dma_semaphore, #tpu.memory_space<semaphore_mem>> -> memref<1x!tpu.dma_semaphore, #tpu.memory_space<semaphore_mem>>
    %dma_start3A_218 = tpu.memref_squeeze %dma_start3A_217 : memref<1x!tpu.dma_semaphore, #tpu.memory_space<semaphore_mem>> -> memref<!tpu.dma_semaphore, #tpu.memory_space<semaphore_mem>>
    %dma_start3A_219 = arith.constant 0 : i32
    %dma_start3A_220 = tpu.memref_slice %arg3[%add3A_208, %dma_start3A_219] : memref<8192x1024xf32, #tpu.memory_space<hbm>> -> memref<32x1024xf32, #tpu.memory_space<hbm>>
    %dma_start3A_221 = arith.constant 0 : i32
    %dma_start3A_222 = arith.constant 0 : i32
    %dma_start3A_223 = tpu.memref_slice %arg4[%dma_start3A_209, %dma_start3A_221, %dma_start3A_222] : memref<3x32x1024xf32, #tpu.memory_space<vmem>> -> memref<1x32x1024xf32, #tpu.memory_space<vmem>>
    %dma_start3A_224 = tpu.memref_squeeze %dma_start3A_223 : memref<1x32x1024xf32, #tpu.memory_space<vmem>> -> memref<32x1024xf32, #tpu.memory_space<vmem>>
    tpu.enqueue_dma source(%dma_start3A_224 : memref<32x1024xf32, #tpu.memory_space<vmem>>) target(%dma_start3A_220 : memref<32x1024xf32, #tpu.memory_space<hbm>>) target_semaphore(%dma_start3A_218 : memref<!tpu.dma_semaphore, #tpu.memory_space<semaphore_mem>>)
    %dma_wait3A_225 = arith.constant 2 : i32
    %dma_wait3A_226 = arith.constant 2 : i32
    %dma_wait3A_227 = arith.constant 0 : i32
    %dma_wait3A_228 = arith.constant 0 : i32
    %dma_wait3A_229 = tpu.memref_slice %arg4[%dma_wait3A_225, %dma_wait3A_227, %dma_wait3A_228] : memref<3x32x1024xf32, #tpu.memory_space<vmem>> -> memref<1x32x1024xf32, #tpu.memory_space<vmem>>
    %dma_wait3A_230 = tpu.memref_squeeze %dma_wait3A_229 : memref<1x32x1024xf32, #tpu.memory_space<vmem>> -> memref<32x1024xf32, #tpu.memory_space<vmem>>
    %dma_wait3A_231 = arith.constant 0 : i32
    %dma_wait3A_232 = tpu.memref_slice %arg3[%add3A_208, %dma_wait3A_231] : memref<8192x1024xf32, #tpu.memory_space<hbm>> -> memref<32x1024xf32, #tpu.memory_space<hbm>>
    %dma_wait3A_233 = tpu.memref_slice %arg6[%dma_wait3A_226] : memref<3x!tpu.dma_semaphore, #tpu.memory_space<semaphore_mem>> -> memref<1x!tpu.dma_semaphore, #tpu.memory_space<semaphore_mem>>
    %dma_wait3A_234 = tpu.memref_squeeze %dma_wait3A_233 : memref<1x!tpu.dma_semaphore, #tpu.memory_space<semaphore_mem>> -> memref<!tpu.dma_semaphore, #tpu.memory_space<semaphore_mem>>
    %dma_wait3A_235 = arith.constant 0 : i32
    %dma_wait3A_236 = tpu.memref_slice %arg3[%add3A_208, %dma_wait3A_235] : memref<8192x1024xf32, #tpu.memory_space<hbm>> -> memref<32x1024xf32, #tpu.memory_space<hbm>>
    %dma_wait3A_237 = arith.constant 0 : i32
    %dma_wait3A_238 = arith.constant 0 : i32
    %dma_wait3A_239 = tpu.memref_slice %arg4[%dma_wait3A_225, %dma_wait3A_237, %dma_wait3A_238] : memref<3x32x1024xf32, #tpu.memory_space<vmem>> -> memref<1x32x1024xf32, #tpu.memory_space<vmem>>
    %dma_wait3A_240 = tpu.memref_squeeze %dma_wait3A_239 : memref<1x32x1024xf32, #tpu.memory_space<vmem>> -> memref<32x1024xf32, #tpu.memory_space<vmem>>
    tpu.wait_dma2 semaphore(%dma_wait3A_234 : memref<!tpu.dma_semaphore, #tpu.memory_space<semaphore_mem>>) src(%dma_wait3A_240 : memref<32x1024xf32, #tpu.memory_space<vmem>>) dst(%dma_wait3A_236 : memref<32x1024xf32, #tpu.memory_space<hbm>>)
    %add3A_241 = arith.constant 160 : i32
    %add3A_242 = arith.addi %mul3A_2, %add3A_241 : i32
    %dma_start3A_243 = arith.constant 2 : i32
    %dma_start3A_244 = arith.constant 2 : i32
    %dma_start3A_245 = arith.constant 0 : i32
    %dma_start3A_246 = arith.constant 0 : i32
    %dma_start3A_247 = tpu.memref_slice %arg4[%dma_start3A_243, %dma_start3A_245, %dma_start3A_246] : memref<3x32x1024xf32, #tpu.memory_space<vmem>> -> memref<1x32x1024xf32, #tpu.memory_space<vmem>>
    %dma_start3A_248 = tpu.memref_squeeze %dma_start3A_247 : memref<1x32x1024xf32, #tpu.memory_space<vmem>> -> memref<32x1024xf32, #tpu.memory_space<vmem>>
    %dma_start3A_249 = arith.constant 0 : i32
    %dma_start3A_250 = tpu.memref_slice %arg2[%add3A_242, %dma_start3A_249] : memref<8192x1024xf32, #tpu.memory_space<hbm>> -> memref<32x1024xf32, #tpu.memory_space<hbm>>
    %dma_start3A_251 = tpu.memref_slice %arg5[%dma_start3A_244] : memref<3x!tpu.dma_semaphore, #tpu.memory_space<semaphore_mem>> -> memref<1x!tpu.dma_semaphore, #tpu.memory_space<semaphore_mem>>
    %dma_start3A_252 = tpu.memref_squeeze %dma_start3A_251 : memref<1x!tpu.dma_semaphore, #tpu.memory_space<semaphore_mem>> -> memref<!tpu.dma_semaphore, #tpu.memory_space<semaphore_mem>>
    %dma_start3A_253 = arith.constant 0 : i32
    %dma_start3A_254 = arith.constant 0 : i32
    %dma_start3A_255 = tpu.memref_slice %arg4[%dma_start3A_243, %dma_start3A_253, %dma_start3A_254] : memref<3x32x1024xf32, #tpu.memory_space<vmem>> -> memref<1x32x1024xf32, #tpu.memory_space<vmem>>
    %dma_start3A_256 = tpu.memref_squeeze %dma_start3A_255 : memref<1x32x1024xf32, #tpu.memory_space<vmem>> -> memref<32x1024xf32, #tpu.memory_space<vmem>>
    %dma_start3A_257 = arith.constant 0 : i32
    %dma_start3A_258 = tpu.memref_slice %arg2[%add3A_242, %dma_start3A_257] : memref<8192x1024xf32, #tpu.memory_space<hbm>> -> memref<32x1024xf32, #tpu.memory_space<hbm>>
    tpu.enqueue_dma source(%dma_start3A_258 : memref<32x1024xf32, #tpu.memory_space<hbm>>) target(%dma_start3A_256 : memref<32x1024xf32, #tpu.memory_space<vmem>>) target_semaphore(%dma_start3A_252 : memref<!tpu.dma_semaphore, #tpu.memory_space<semaphore_mem>>)
    %dma_wait3A_259 = arith.constant 0 : i32
    %dma_wait3A_260 = arith.constant 0 : i32
    %dma_wait3A_261 = arith.constant 0 : i32
    %dma_wait3A_262 = arith.constant 0 : i32
    %dma_wait3A_263 = tpu.memref_slice %arg4[%dma_wait3A_259, %dma_wait3A_261, %dma_wait3A_262] : memref<3x32x1024xf32, #tpu.memory_space<vmem>> -> memref<1x32x1024xf32, #tpu.memory_space<vmem>>
    %dma_wait3A_264 = tpu.memref_squeeze %dma_wait3A_263 : memref<1x32x1024xf32, #tpu.memory_space<vmem>> -> memref<32x1024xf32, #tpu.memory_space<vmem>>
    %dma_wait3A_265 = arith.constant 0 : i32
    %dma_wait3A_266 = tpu.memref_slice %arg2[%add3A_106, %dma_wait3A_265] : memref<8192x1024xf32, #tpu.memory_space<hbm>> -> memref<32x1024xf32, #tpu.memory_space<hbm>>
    %dma_wait3A_267 = tpu.memref_slice %arg5[%dma_wait3A_260] : memref<3x!tpu.dma_semaphore, #tpu.memory_space<semaphore_mem>> -> memref<1x!tpu.dma_semaphore, #tpu.memory_space<semaphore_mem>>
    %dma_wait3A_268 = tpu.memref_squeeze %dma_wait3A_267 : memref<1x!tpu.dma_semaphore, #tpu.memory_space<semaphore_mem>> -> memref<!tpu.dma_semaphore, #tpu.memory_space<semaphore_mem>>
    %dma_wait3A_269 = arith.constant 0 : i32
    %dma_wait3A_270 = arith.constant 0 : i32
    %dma_wait3A_271 = tpu.memref_slice %arg4[%dma_wait3A_259, %dma_wait3A_269, %dma_wait3A_270] : memref<3x32x1024xf32, #tpu.memory_space<vmem>> -> memref<1x32x1024xf32, #tpu.memory_space<vmem>>
    %dma_wait3A_272 = tpu.memref_squeeze %dma_wait3A_271 : memref<1x32x1024xf32, #tpu.memory_space<vmem>> -> memref<32x1024xf32, #tpu.memory_space<vmem>>
    %dma_wait3A_273 = arith.constant 0 : i32
    %dma_wait3A_274 = tpu.memref_slice %arg2[%add3A_106, %dma_wait3A_273] : memref<8192x1024xf32, #tpu.memory_space<hbm>> -> memref<32x1024xf32, #tpu.memory_space<hbm>>
    tpu.wait_dma2 semaphore(%dma_wait3A_268 : memref<!tpu.dma_semaphore, #tpu.memory_space<semaphore_mem>>) src(%dma_wait3A_274 : memref<32x1024xf32, #tpu.memory_space<hbm>>) dst(%dma_wait3A_272 : memref<32x1024xf32, #tpu.memory_space<vmem>>)
    %add3A_275 = arith.constant 96 : i32
    %add3A_276 = arith.addi %mul3A_2, %add3A_275 : i32
    %dma_start3A_277 = arith.constant 0 : i32
    %dma_start3A_278 = arith.constant 0 : i32
    %dma_start3A_279 = arith.constant 0 : i32
    %dma_start3A_280 = arith.constant 0 : i32
    %dma_start3A_281 = tpu.memref_slice %arg4[%dma_start3A_277, %dma_start3A_279, %dma_start3A_280] : memref<3x32x1024xf32, #tpu.memory_space<vmem>> -> memref<1x32x1024xf32, #tpu.memory_space<vmem>>
    %dma_start3A_282 = tpu.memref_squeeze %dma_start3A_281 : memref<1x32x1024xf32, #tpu.memory_space<vmem>> -> memref<32x1024xf32, #tpu.memory_space<vmem>>
    %dma_start3A_283 = arith.constant 0 : i32
    %dma_start3A_284 = tpu.memref_slice %arg3[%add3A_276, %dma_start3A_283] : memref<8192x1024xf32, #tpu.memory_space<hbm>> -> memref<32x1024xf32, #tpu.memory_space<hbm>>
    %dma_start3A_285 = tpu.memref_slice %arg6[%dma_start3A_278] : memref<3x!tpu.dma_semaphore, #tpu.memory_space<semaphore_mem>> -> memref<1x!tpu.dma_semaphore, #tpu.memory_space<semaphore_mem>>
    %dma_start3A_286 = tpu.memref_squeeze %dma_start3A_285 : memref<1x!tpu.dma_semaphore, #tpu.memory_space<semaphore_mem>> -> memref<!tpu.dma_semaphore, #tpu.memory_space<semaphore_mem>>
    %dma_start3A_287 = arith.constant 0 : i32
    %dma_start3A_288 = tpu.memref_slice %arg3[%add3A_276, %dma_start3A_287] : memref<8192x1024xf32, #tpu.memory_space<hbm>> -> memref<32x1024xf32, #tpu.memory_space<hbm>>
    %dma_start3A_289 = arith.constant 0 : i32
    %dma_start3A_290 = arith.constant 0 : i32
    %dma_start3A_291 = tpu.memref_slice %arg4[%dma_start3A_277, %dma_start3A_289, %dma_start3A_290] : memref<3x32x1024xf32, #tpu.memory_space<vmem>> -> memref<1x32x1024xf32, #tpu.memory_space<vmem>>
    %dma_start3A_292 = tpu.memref_squeeze %dma_start3A_291 : memref<1x32x1024xf32, #tpu.memory_space<vmem>> -> memref<32x1024xf32, #tpu.memory_space<vmem>>
    tpu.enqueue_dma source(%dma_start3A_292 : memref<32x1024xf32, #tpu.memory_space<vmem>>) target(%dma_start3A_288 : memref<32x1024xf32, #tpu.memory_space<hbm>>) target_semaphore(%dma_start3A_286 : memref<!tpu.dma_semaphore, #tpu.memory_space<semaphore_mem>>)
    %dma_wait3A_293 = arith.constant 0 : i32
    %dma_wait3A_294 = arith.constant 0 : i32
    %dma_wait3A_295 = arith.constant 0 : i32
    %dma_wait3A_296 = arith.constant 0 : i32
    %dma_wait3A_297 = tpu.memref_slice %arg4[%dma_wait3A_293, %dma_wait3A_295, %dma_wait3A_296] : memref<3x32x1024xf32, #tpu.memory_space<vmem>> -> memref<1x32x1024xf32, #tpu.memory_space<vmem>>
    %dma_wait3A_298 = tpu.memref_squeeze %dma_wait3A_297 : memref<1x32x1024xf32, #tpu.memory_space<vmem>> -> memref<32x1024xf32, #tpu.memory_space<vmem>>
    %dma_wait3A_299 = arith.constant 0 : i32
    %dma_wait3A_300 = tpu.memref_slice %arg3[%add3A_276, %dma_wait3A_299] : memref<8192x1024xf32, #tpu.memory_space<hbm>> -> memref<32x1024xf32, #tpu.memory_space<hbm>>
    %dma_wait3A_301 = tpu.memref_slice %arg6[%dma_wait3A_294] : memref<3x!tpu.dma_semaphore, #tpu.memory_space<semaphore_mem>> -> memref<1x!tpu.dma_semaphore, #tpu.memory_space<semaphore_mem>>
    %dma_wait3A_302 = tpu.memref_squeeze %dma_wait3A_301 : memref<1x!tpu.dma_semaphore, #tpu.memory_space<semaphore_mem>> -> memref<!tpu.dma_semaphore, #tpu.memory_space<semaphore_mem>>
    %dma_wait3A_303 = arith.constant 0 : i32
    %dma_wait3A_304 = tpu.memref_slice %arg3[%add3A_276, %dma_wait3A_303] : memref<8192x1024xf32, #tpu.memory_space<hbm>> -> memref<32x1024xf32, #tpu.memory_space<hbm>>
    %dma_wait3A_305 = arith.constant 0 : i32
    %dma_wait3A_306 = arith.constant 0 : i32
    %dma_wait3A_307 = tpu.memref_slice %arg4[%dma_wait3A_293, %dma_wait3A_305, %dma_wait3A_306] : memref<3x32x1024xf32, #tpu.memory_space<vmem>> -> memref<1x32x1024xf32, #tpu.memory_space<vmem>>
    %dma_wait3A_308 = tpu.memref_squeeze %dma_wait3A_307 : memref<1x32x1024xf32, #tpu.memory_space<vmem>> -> memref<32x1024xf32, #tpu.memory_space<vmem>>
    tpu.wait_dma2 semaphore(%dma_wait3A_302 : memref<!tpu.dma_semaphore, #tpu.memory_space<semaphore_mem>>) src(%dma_wait3A_308 : memref<32x1024xf32, #tpu.memory_space<vmem>>) dst(%dma_wait3A_304 : memref<32x1024xf32, #tpu.memory_space<hbm>>)
    %add3A_309 = arith.constant 192 : i32
    %add3A_310 = arith.addi %mul3A_2, %add3A_309 : i32
    %dma_start3A_311 = arith.constant 0 : i32
    %dma_start3A_312 = arith.constant 0 : i32
    %dma_start3A_313 = arith.constant 0 : i32
    %dma_start3A_314 = arith.constant 0 : i32
    %dma_start3A_315 = tpu.memref_slice %arg4[%dma_start3A_311, %dma_start3A_313, %dma_start3A_314] : memref<3x32x1024xf32, #tpu.memory_space<vmem>> -> memref<1x32x1024xf32, #tpu.memory_space<vmem>>
    %dma_start3A_316 = tpu.memref_squeeze %dma_start3A_315 : memref<1x32x1024xf32, #tpu.memory_space<vmem>> -> memref<32x1024xf32, #tpu.memory_space<vmem>>
    %dma_start3A_317 = arith.constant 0 : i32
    %dma_start3A_318 = tpu.memref_slice %arg2[%add3A_310, %dma_start3A_317] : memref<8192x1024xf32, #tpu.memory_space<hbm>> -> memref<32x1024xf32, #tpu.memory_space<hbm>>
    %dma_start3A_319 = tpu.memref_slice %arg5[%dma_start3A_312] : memref<3x!tpu.dma_semaphore, #tpu.memory_space<semaphore_mem>> -> memref<1x!tpu.dma_semaphore, #tpu.memory_space<semaphore_mem>>
    %dma_start3A_320 = tpu.memref_squeeze %dma_start3A_319 : memref<1x!tpu.dma_semaphore, #tpu.memory_space<semaphore_mem>> -> memref<!tpu.dma_semaphore, #tpu.memory_space<semaphore_mem>>
    %dma_start3A_321 = arith.constant 0 : i32
    %dma_start3A_322 = arith.constant 0 : i32
    %dma_start3A_323 = tpu.memref_slice %arg4[%dma_start3A_311, %dma_start3A_321, %dma_start3A_322] : memref<3x32x1024xf32, #tpu.memory_space<vmem>> -> memref<1x32x1024xf32, #tpu.memory_space<vmem>>
    %dma_start3A_324 = tpu.memref_squeeze %dma_start3A_323 : memref<1x32x1024xf32, #tpu.memory_space<vmem>> -> memref<32x1024xf32, #tpu.memory_space<vmem>>
    %dma_start3A_325 = arith.constant 0 : i32
    %dma_start3A_326 = tpu.memref_slice %arg2[%add3A_310, %dma_start3A_325] : memref<8192x1024xf32, #tpu.memory_space<hbm>> -> memref<32x1024xf32, #tpu.memory_space<hbm>>
    tpu.enqueue_dma source(%dma_start3A_326 : memref<32x1024xf32, #tpu.memory_space<hbm>>) target(%dma_start3A_324 : memref<32x1024xf32, #tpu.memory_space<vmem>>) target_semaphore(%dma_start3A_320 : memref<!tpu.dma_semaphore, #tpu.memory_space<semaphore_mem>>)
    %dma_wait3A_327 = arith.constant 1 : i32
    %dma_wait3A_328 = arith.constant 1 : i32
    %dma_wait3A_329 = arith.constant 0 : i32
    %dma_wait3A_330 = arith.constant 0 : i32
    %dma_wait3A_331 = tpu.memref_slice %arg4[%dma_wait3A_327, %dma_wait3A_329, %dma_wait3A_330] : memref<3x32x1024xf32, #tpu.memory_space<vmem>> -> memref<1x32x1024xf32, #tpu.memory_space<vmem>>
    %dma_wait3A_332 = tpu.memref_squeeze %dma_wait3A_331 : memref<1x32x1024xf32, #tpu.memory_space<vmem>> -> memref<32x1024xf32, #tpu.memory_space<vmem>>
    %dma_wait3A_333 = arith.constant 0 : i32
    %dma_wait3A_334 = tpu.memref_slice %arg2[%add3A_174, %dma_wait3A_333] : memref<8192x1024xf32, #tpu.memory_space<hbm>> -> memref<32x1024xf32, #tpu.memory_space<hbm>>
    %dma_wait3A_335 = tpu.memref_slice %arg5[%dma_wait3A_328] : memref<3x!tpu.dma_semaphore, #tpu.memory_space<semaphore_mem>> -> memref<1x!tpu.dma_semaphore, #tpu.memory_space<semaphore_mem>>
    %dma_wait3A_336 = tpu.memref_squeeze %dma_wait3A_335 : memref<1x!tpu.dma_semaphore, #tpu.memory_space<semaphore_mem>> -> memref<!tpu.dma_semaphore, #tpu.memory_space<semaphore_mem>>
    %dma_wait3A_337 = arith.constant 0 : i32
    %dma_wait3A_338 = arith.constant 0 : i32
    %dma_wait3A_339 = tpu.memref_slice %arg4[%dma_wait3A_327, %dma_wait3A_337, %dma_wait3A_338] : memref<3x32x1024xf32, #tpu.memory_space<vmem>> -> memref<1x32x1024xf32, #tpu.memory_space<vmem>>
    %dma_wait3A_340 = tpu.memref_squeeze %dma_wait3A_339 : memref<1x32x1024xf32, #tpu.memory_space<vmem>> -> memref<32x1024xf32, #tpu.memory_space<vmem>>
    %dma_wait3A_341 = arith.constant 0 : i32
    %dma_wait3A_342 = tpu.memref_slice %arg2[%add3A_174, %dma_wait3A_341] : memref<8192x1024xf32, #tpu.memory_space<hbm>> -> memref<32x1024xf32, #tpu.memory_space<hbm>>
    tpu.wait_dma2 semaphore(%dma_wait3A_336 : memref<!tpu.dma_semaphore, #tpu.memory_space<semaphore_mem>>) src(%dma_wait3A_342 : memref<32x1024xf32, #tpu.memory_space<hbm>>) dst(%dma_wait3A_340 : memref<32x1024xf32, #tpu.memory_space<vmem>>)
    %add3A_343 = arith.constant 128 : i32
    %add3A_344 = arith.addi %mul3A_2, %add3A_343 : i32
    %dma_start3A_345 = arith.constant 1 : i32
    %dma_start3A_346 = arith.constant 1 : i32
    %dma_start3A_347 = arith.constant 0 : i32
    %dma_start3A_348 = arith.constant 0 : i32
    %dma_start3A_349 = tpu.memref_slice %arg4[%dma_start3A_345, %dma_start3A_347, %dma_start3A_348] : memref<3x32x1024xf32, #tpu.memory_space<vmem>> -> memref<1x32x1024xf32, #tpu.memory_space<vmem>>
    %dma_start3A_350 = tpu.memref_squeeze %dma_start3A_349 : memref<1x32x1024xf32, #tpu.memory_space<vmem>> -> memref<32x1024xf32, #tpu.memory_space<vmem>>
    %dma_start3A_351 = arith.constant 0 : i32
    %dma_start3A_352 = tpu.memref_slice %arg3[%add3A_344, %dma_start3A_351] : memref<8192x1024xf32, #tpu.memory_space<hbm>> -> memref<32x1024xf32, #tpu.memory_space<hbm>>
    %dma_start3A_353 = tpu.memref_slice %arg6[%dma_start3A_346] : memref<3x!tpu.dma_semaphore, #tpu.memory_space<semaphore_mem>> -> memref<1x!tpu.dma_semaphore, #tpu.memory_space<semaphore_mem>>
    %dma_start3A_354 = tpu.memref_squeeze %dma_start3A_353 : memref<1x!tpu.dma_semaphore, #tpu.memory_space<semaphore_mem>> -> memref<!tpu.dma_semaphore, #tpu.memory_space<semaphore_mem>>
    %dma_start3A_355 = arith.constant 0 : i32
    %dma_start3A_356 = tpu.memref_slice %arg3[%add3A_344, %dma_start3A_355] : memref<8192x1024xf32, #tpu.memory_space<hbm>> -> memref<32x1024xf32, #tpu.memory_space<hbm>>
    %dma_start3A_357 = arith.constant 0 : i32
    %dma_start3A_358 = arith.constant 0 : i32
    %dma_start3A_359 = tpu.memref_slice %arg4[%dma_start3A_345, %dma_start3A_357, %dma_start3A_358] : memref<3x32x1024xf32, #tpu.memory_space<vmem>> -> memref<1x32x1024xf32, #tpu.memory_space<vmem>>
    %dma_start3A_360 = tpu.memref_squeeze %dma_start3A_359 : memref<1x32x1024xf32, #tpu.memory_space<vmem>> -> memref<32x1024xf32, #tpu.memory_space<vmem>>
    tpu.enqueue_dma source(%dma_start3A_360 : memref<32x1024xf32, #tpu.memory_space<vmem>>) target(%dma_start3A_356 : memref<32x1024xf32, #tpu.memory_space<hbm>>) target_semaphore(%dma_start3A_354 : memref<!tpu.dma_semaphore, #tpu.memory_space<semaphore_mem>>)
    %dma_wait3A_361 = arith.constant 1 : i32
    %dma_wait3A_362 = arith.constant 1 : i32
    %dma_wait3A_363 = arith.constant 0 : i32
    %dma_wait3A_364 = arith.constant 0 : i32
    %dma_wait3A_365 = tpu.memref_slice %arg4[%dma_wait3A_361, %dma_wait3A_363, %dma_wait3A_364] : memref<3x32x1024xf32, #tpu.memory_space<vmem>> -> memref<1x32x1024xf32, #tpu.memory_space<vmem>>
    %dma_wait3A_366 = tpu.memref_squeeze %dma_wait3A_365 : memref<1x32x1024xf32, #tpu.memory_space<vmem>> -> memref<32x1024xf32, #tpu.memory_space<vmem>>
    %dma_wait3A_367 = arith.constant 0 : i32
    %dma_wait3A_368 = tpu.memref_slice %arg3[%add3A_344, %dma_wait3A_367] : memref<8192x1024xf32, #tpu.memory_space<hbm>> -> memref<32x1024xf32, #tpu.memory_space<hbm>>
    %dma_wait3A_369 = tpu.memref_slice %arg6[%dma_wait3A_362] : memref<3x!tpu.dma_semaphore, #tpu.memory_space<semaphore_mem>> -> memref<1x!tpu.dma_semaphore, #tpu.memory_space<semaphore_mem>>
    %dma_wait3A_370 = tpu.memref_squeeze %dma_wait3A_369 : memref<1x!tpu.dma_semaphore, #tpu.memory_space<semaphore_mem>> -> memref<!tpu.dma_semaphore, #tpu.memory_space<semaphore_mem>>
    %dma_wait3A_371 = arith.constant 0 : i32
    %dma_wait3A_372 = tpu.memref_slice %arg3[%add3A_344, %dma_wait3A_371] : memref<8192x1024xf32, #tpu.memory_space<hbm>> -> memref<32x1024xf32, #tpu.memory_space<hbm>>
    %dma_wait3A_373 = arith.constant 0 : i32
    %dma_wait3A_374 = arith.constant 0 : i32
    %dma_wait3A_375 = tpu.memref_slice %arg4[%dma_wait3A_361, %dma_wait3A_373, %dma_wait3A_374] : memref<3x32x1024xf32, #tpu.memory_space<vmem>> -> memref<1x32x1024xf32, #tpu.memory_space<vmem>>
    %dma_wait3A_376 = tpu.memref_squeeze %dma_wait3A_375 : memref<1x32x1024xf32, #tpu.memory_space<vmem>> -> memref<32x1024xf32, #tpu.memory_space<vmem>>
    tpu.wait_dma2 semaphore(%dma_wait3A_370 : memref<!tpu.dma_semaphore, #tpu.memory_space<semaphore_mem>>) src(%dma_wait3A_376 : memref<32x1024xf32, #tpu.memory_space<vmem>>) dst(%dma_wait3A_372 : memref<32x1024xf32, #tpu.memory_space<hbm>>)
    %add3A_377 = arith.constant 224 : i32
    %add3A_378 = arith.addi %mul3A_2, %add3A_377 : i32
    %dma_start3A_379 = arith.constant 1 : i32
    %dma_start3A_380 = arith.constant 1 : i32
    %dma_start3A_381 = arith.constant 0 : i32
    %dma_start3A_382 = arith.constant 0 : i32
    %dma_start3A_383 = tpu.memref_slice %arg4[%dma_start3A_379, %dma_start3A_381, %dma_start3A_382] : memref<3x32x1024xf32, #tpu.memory_space<vmem>> -> memref<1x32x1024xf32, #tpu.memory_space<vmem>>
    %dma_start3A_384 = tpu.memref_squeeze %dma_start3A_383 : memref<1x32x1024xf32, #tpu.memory_space<vmem>> -> memref<32x1024xf32, #tpu.memory_space<vmem>>
    %dma_start3A_385 = arith.constant 0 : i32
    %dma_start3A_386 = tpu.memref_slice %arg2[%add3A_378, %dma_start3A_385] : memref<8192x1024xf32, #tpu.memory_space<hbm>> -> memref<32x1024xf32, #tpu.memory_space<hbm>>
    %dma_start3A_387 = tpu.memref_slice %arg5[%dma_start3A_380] : memref<3x!tpu.dma_semaphore, #tpu.memory_space<semaphore_mem>> -> memref<1x!tpu.dma_semaphore, #tpu.memory_space<semaphore_mem>>
    %dma_start3A_388 = tpu.memref_squeeze %dma_start3A_387 : memref<1x!tpu.dma_semaphore, #tpu.memory_space<semaphore_mem>> -> memref<!tpu.dma_semaphore, #tpu.memory_space<semaphore_mem>>
    %dma_start3A_389 = arith.constant 0 : i32
    %dma_start3A_390 = arith.constant 0 : i32
    %dma_start3A_391 = tpu.memref_slice %arg4[%dma_start3A_379, %dma_start3A_389, %dma_start3A_390] : memref<3x32x1024xf32, #tpu.memory_space<vmem>> -> memref<1x32x1024xf32, #tpu.memory_space<vmem>>
    %dma_start3A_392 = tpu.memref_squeeze %dma_start3A_391 : memref<1x32x1024xf32, #tpu.memory_space<vmem>> -> memref<32x1024xf32, #tpu.memory_space<vmem>>
    %dma_start3A_393 = arith.constant 0 : i32
    %dma_start3A_394 = tpu.memref_slice %arg2[%add3A_378, %dma_start3A_393] : memref<8192x1024xf32, #tpu.memory_space<hbm>> -> memref<32x1024xf32, #tpu.memory_space<hbm>>
    tpu.enqueue_dma source(%dma_start3A_394 : memref<32x1024xf32, #tpu.memory_space<hbm>>) target(%dma_start3A_392 : memref<32x1024xf32, #tpu.memory_space<vmem>>) target_semaphore(%dma_start3A_388 : memref<!tpu.dma_semaphore, #tpu.memory_space<semaphore_mem>>)
    %dma_wait3A_395 = arith.constant 2 : i32
    %dma_wait3A_396 = arith.constant 2 : i32
    %dma_wait3A_397 = arith.constant 0 : i32
    %dma_wait3A_398 = arith.constant 0 : i32
    %dma_wait3A_399 = tpu.memref_slice %arg4[%dma_wait3A_395, %dma_wait3A_397, %dma_wait3A_398] : memref<3x32x1024xf32, #tpu.memory_space<vmem>> -> memref<1x32x1024xf32, #tpu.memory_space<vmem>>
    %dma_wait3A_400 = tpu.memref_squeeze %dma_wait3A_399 : memref<1x32x1024xf32, #tpu.memory_space<vmem>> -> memref<32x1024xf32, #tpu.memory_space<vmem>>
    %dma_wait3A_401 = arith.constant 0 : i32
    %dma_wait3A_402 = tpu.memref_slice %arg2[%add3A_242, %dma_wait3A_401] : memref<8192x1024xf32, #tpu.memory_space<hbm>> -> memref<32x1024xf32, #tpu.memory_space<hbm>>
    %dma_wait3A_403 = tpu.memref_slice %arg5[%dma_wait3A_396] : memref<3x!tpu.dma_semaphore, #tpu.memory_space<semaphore_mem>> -> memref<1x!tpu.dma_semaphore, #tpu.memory_space<semaphore_mem>>
    %dma_wait3A_404 = tpu.memref_squeeze %dma_wait3A_403 : memref<1x!tpu.dma_semaphore, #tpu.memory_space<semaphore_mem>> -> memref<!tpu.dma_semaphore, #tpu.memory_space<semaphore_mem>>
    %dma_wait3A_405 = arith.constant 0 : i32
    %dma_wait3A_406 = arith.constant 0 : i32
    %dma_wait3A_407 = tpu.memref_slice %arg4[%dma_wait3A_395, %dma_wait3A_405, %dma_wait3A_406] : memref<3x32x1024xf32, #tpu.memory_space<vmem>> -> memref<1x32x1024xf32, #tpu.memory_space<vmem>>
    %dma_wait3A_408 = tpu.memref_squeeze %dma_wait3A_407 : memref<1x32x1024xf32, #tpu.memory_space<vmem>> -> memref<32x1024xf32, #tpu.memory_space<vmem>>
    %dma_wait3A_409 = arith.constant 0 : i32
    %dma_wait3A_410 = tpu.memref_slice %arg2[%add3A_242, %dma_wait3A_409] : memref<8192x1024xf32, #tpu.memory_space<hbm>> -> memref<32x1024xf32, #tpu.memory_space<hbm>>
    tpu.wait_dma2 semaphore(%dma_wait3A_404 : memref<!tpu.dma_semaphore, #tpu.memory_space<semaphore_mem>>) src(%dma_wait3A_410 : memref<32x1024xf32, #tpu.memory_space<hbm>>) dst(%dma_wait3A_408 : memref<32x1024xf32, #tpu.memory_space<vmem>>)
    %add3A_411 = arith.constant 160 : i32
    %add3A_412 = arith.addi %mul3A_2, %add3A_411 : i32
    %dma_start3A_413 = arith.constant 2 : i32
    %dma_start3A_414 = arith.constant 2 : i32
    %dma_start3A_415 = arith.constant 0 : i32
    %dma_start3A_416 = arith.constant 0 : i32
    %dma_start3A_417 = tpu.memref_slice %arg4[%dma_start3A_413, %dma_start3A_415, %dma_start3A_416] : memref<3x32x1024xf32, #tpu.memory_space<vmem>> -> memref<1x32x1024xf32, #tpu.memory_space<vmem>>
    %dma_start3A_418 = tpu.memref_squeeze %dma_start3A_417 : memref<1x32x1024xf32, #tpu.memory_space<vmem>> -> memref<32x1024xf32, #tpu.memory_space<vmem>>
    %dma_start3A_419 = arith.constant 0 : i32
    %dma_start3A_420 = tpu.memref_slice %arg3[%add3A_412, %dma_start3A_419] : memref<8192x1024xf32, #tpu.memory_space<hbm>> -> memref<32x1024xf32, #tpu.memory_space<hbm>>
    %dma_start3A_421 = tpu.memref_slice %arg6[%dma_start3A_414] : memref<3x!tpu.dma_semaphore, #tpu.memory_space<semaphore_mem>> -> memref<1x!tpu.dma_semaphore, #tpu.memory_space<semaphore_mem>>
    %dma_start3A_422 = tpu.memref_squeeze %dma_start3A_421 : memref<1x!tpu.dma_semaphore, #tpu.memory_space<semaphore_mem>> -> memref<!tpu.dma_semaphore, #tpu.memory_space<semaphore_mem>>
    %dma_start3A_423 = arith.constant 0 : i32
    %dma_start3A_424 = tpu.memref_slice %arg3[%add3A_412, %dma_start3A_423] : memref<8192x1024xf32, #tpu.memory_space<hbm>> -> memref<32x1024xf32, #tpu.memory_space<hbm>>
    %dma_start3A_425 = arith.constant 0 : i32
    %dma_start3A_426 = arith.constant 0 : i32
    %dma_start3A_427 = tpu.memref_slice %arg4[%dma_start3A_413, %dma_start3A_425, %dma_start3A_426] : memref<3x32x1024xf32, #tpu.memory_space<vmem>> -> memref<1x32x1024xf32, #tpu.memory_space<vmem>>
    %dma_start3A_428 = tpu.memref_squeeze %dma_start3A_427 : memref<1x32x1024xf32, #tpu.memory_space<vmem>> -> memref<32x1024xf32, #tpu.memory_space<vmem>>
    tpu.enqueue_dma source(%dma_start3A_428 : memref<32x1024xf32, #tpu.memory_space<vmem>>) target(%dma_start3A_424 : memref<32x1024xf32, #tpu.memory_space<hbm>>) target_semaphore(%dma_start3A_422 : memref<!tpu.dma_semaphore, #tpu.memory_space<semaphore_mem>>)
    %dma_wait3A_429 = arith.constant 0 : i32
    %dma_wait3A_430 = arith.constant 0 : i32
    %dma_wait3A_431 = arith.constant 0 : i32
    %dma_wait3A_432 = arith.constant 0 : i32
    %dma_wait3A_433 = tpu.memref_slice %arg4[%dma_wait3A_429, %dma_wait3A_431, %dma_wait3A_432] : memref<3x32x1024xf32, #tpu.memory_space<vmem>> -> memref<1x32x1024xf32, #tpu.memory_space<vmem>>
    %dma_wait3A_434 = tpu.memref_squeeze %dma_wait3A_433 : memref<1x32x1024xf32, #tpu.memory_space<vmem>> -> memref<32x1024xf32, #tpu.memory_space<vmem>>
    %dma_wait3A_435 = arith.constant 0 : i32
    %dma_wait3A_436 = tpu.memref_slice %arg2[%add3A_310, %dma_wait3A_435] : memref<8192x1024xf32, #tpu.memory_space<hbm>> -> memref<32x1024xf32, #tpu.memory_space<hbm>>
    %dma_wait3A_437 = tpu.memref_slice %arg5[%dma_wait3A_430] : memref<3x!tpu.dma_semaphore, #tpu.memory_space<semaphore_mem>> -> memref<1x!tpu.dma_semaphore, #tpu.memory_space<semaphore_mem>>
    %dma_wait3A_438 = tpu.memref_squeeze %dma_wait3A_437 : memref<1x!tpu.dma_semaphore, #tpu.memory_space<semaphore_mem>> -> memref<!tpu.dma_semaphore, #tpu.memory_space<semaphore_mem>>
    %dma_wait3A_439 = arith.constant 0 : i32
    %dma_wait3A_440 = arith.constant 0 : i32
    %dma_wait3A_441 = tpu.memref_slice %arg4[%dma_wait3A_429, %dma_wait3A_439, %dma_wait3A_440] : memref<3x32x1024xf32, #tpu.memory_space<vmem>> -> memref<1x32x1024xf32, #tpu.memory_space<vmem>>
    %dma_wait3A_442 = tpu.memref_squeeze %dma_wait3A_441 : memref<1x32x1024xf32, #tpu.memory_space<vmem>> -> memref<32x1024xf32, #tpu.memory_space<vmem>>
    %dma_wait3A_443 = arith.constant 0 : i32
    %dma_wait3A_444 = tpu.memref_slice %arg2[%add3A_310, %dma_wait3A_443] : memref<8192x1024xf32, #tpu.memory_space<hbm>> -> memref<32x1024xf32, #tpu.memory_space<hbm>>
    tpu.wait_dma2 semaphore(%dma_wait3A_438 : memref<!tpu.dma_semaphore, #tpu.memory_space<semaphore_mem>>) src(%dma_wait3A_444 : memref<32x1024xf32, #tpu.memory_space<hbm>>) dst(%dma_wait3A_442 : memref<32x1024xf32, #tpu.memory_space<vmem>>)
    %add3A_445 = arith.constant 192 : i32
    %add3A_446 = arith.addi %mul3A_2, %add3A_445 : i32
    %dma_start3A_447 = arith.constant 0 : i32
    %dma_start3A_448 = arith.constant 0 : i32
    %dma_start3A_449 = arith.constant 0 : i32
    %dma_start3A_450 = arith.constant 0 : i32
    %dma_start3A_451 = tpu.memref_slice %arg4[%dma_start3A_447, %dma_start3A_449, %dma_start3A_450] : memref<3x32x1024xf32, #tpu.memory_space<vmem>> -> memref<1x32x1024xf32, #tpu.memory_space<vmem>>
    %dma_start3A_452 = tpu.memref_squeeze %dma_start3A_451 : memref<1x32x1024xf32, #tpu.memory_space<vmem>> -> memref<32x1024xf32, #tpu.memory_space<vmem>>
    %dma_start3A_453 = arith.constant 0 : i32
    %dma_start3A_454 = tpu.memref_slice %arg3[%add3A_446, %dma_start3A_453] : memref<8192x1024xf32, #tpu.memory_space<hbm>> -> memref<32x1024xf32, #tpu.memory_space<hbm>>
    %dma_start3A_455 = tpu.memref_slice %arg6[%dma_start3A_448] : memref<3x!tpu.dma_semaphore, #tpu.memory_space<semaphore_mem>> -> memref<1x!tpu.dma_semaphore, #tpu.memory_space<semaphore_mem>>
    %dma_start3A_456 = tpu.memref_squeeze %dma_start3A_455 : memref<1x!tpu.dma_semaphore, #tpu.memory_space<semaphore_mem>> -> memref<!tpu.dma_semaphore, #tpu.memory_space<semaphore_mem>>
    %dma_start3A_457 = arith.constant 0 : i32
    %dma_start3A_458 = tpu.memref_slice %arg3[%add3A_446, %dma_start3A_457] : memref<8192x1024xf32, #tpu.memory_space<hbm>> -> memref<32x1024xf32, #tpu.memory_space<hbm>>
    %dma_start3A_459 = arith.constant 0 : i32
    %dma_start3A_460 = arith.constant 0 : i32
    %dma_start3A_461 = tpu.memref_slice %arg4[%dma_start3A_447, %dma_start3A_459, %dma_start3A_460] : memref<3x32x1024xf32, #tpu.memory_space<vmem>> -> memref<1x32x1024xf32, #tpu.memory_space<vmem>>
    %dma_start3A_462 = tpu.memref_squeeze %dma_start3A_461 : memref<1x32x1024xf32, #tpu.memory_space<vmem>> -> memref<32x1024xf32, #tpu.memory_space<vmem>>
    tpu.enqueue_dma source(%dma_start3A_462 : memref<32x1024xf32, #tpu.memory_space<vmem>>) target(%dma_start3A_458 : memref<32x1024xf32, #tpu.memory_space<hbm>>) target_semaphore(%dma_start3A_456 : memref<!tpu.dma_semaphore, #tpu.memory_space<semaphore_mem>>)
    %dma_wait3A_463 = arith.constant 1 : i32
    %dma_wait3A_464 = arith.constant 1 : i32
    %dma_wait3A_465 = arith.constant 0 : i32
    %dma_wait3A_466 = arith.constant 0 : i32
    %dma_wait3A_467 = tpu.memref_slice %arg4[%dma_wait3A_463, %dma_wait3A_465, %dma_wait3A_466] : memref<3x32x1024xf32, #tpu.memory_space<vmem>> -> memref<1x32x1024xf32, #tpu.memory_space<vmem>>
    %dma_wait3A_468 = tpu.memref_squeeze %dma_wait3A_467 : memref<1x32x1024xf32, #tpu.memory_space<vmem>> -> memref<32x1024xf32, #tpu.memory_space<vmem>>
    %dma_wait3A_469 = arith.constant 0 : i32
    %dma_wait3A_470 = tpu.memref_slice %arg2[%add3A_378, %dma_wait3A_469] : memref<8192x1024xf32, #tpu.memory_space<hbm>> -> memref<32x1024xf32, #tpu.memory_space<hbm>>
    %dma_wait3A_471 = tpu.memref_slice %arg5[%dma_wait3A_464] : memref<3x!tpu.dma_semaphore, #tpu.memory_space<semaphore_mem>> -> memref<1x!tpu.dma_semaphore, #tpu.memory_space<semaphore_mem>>
    %dma_wait3A_472 = tpu.memref_squeeze %dma_wait3A_471 : memref<1x!tpu.dma_semaphore, #tpu.memory_space<semaphore_mem>> -> memref<!tpu.dma_semaphore, #tpu.memory_space<semaphore_mem>>
    %dma_wait3A_473 = arith.constant 0 : i32
    %dma_wait3A_474 = arith.constant 0 : i32
    %dma_wait3A_475 = tpu.memref_slice %arg4[%dma_wait3A_463, %dma_wait3A_473, %dma_wait3A_474] : memref<3x32x1024xf32, #tpu.memory_space<vmem>> -> memref<1x32x1024xf32, #tpu.memory_space<vmem>>
    %dma_wait3A_476 = tpu.memref_squeeze %dma_wait3A_475 : memref<1x32x1024xf32, #tpu.memory_space<vmem>> -> memref<32x1024xf32, #tpu.memory_space<vmem>>
    %dma_wait3A_477 = arith.constant 0 : i32
    %dma_wait3A_478 = tpu.memref_slice %arg2[%add3A_378, %dma_wait3A_477] : memref<8192x1024xf32, #tpu.memory_space<hbm>> -> memref<32x1024xf32, #tpu.memory_space<hbm>>
    tpu.wait_dma2 semaphore(%dma_wait3A_472 : memref<!tpu.dma_semaphore, #tpu.memory_space<semaphore_mem>>) src(%dma_wait3A_478 : memref<32x1024xf32, #tpu.memory_space<hbm>>) dst(%dma_wait3A_476 : memref<32x1024xf32, #tpu.memory_space<vmem>>)
    %add3A_479 = arith.constant 224 : i32
    %add3A_480 = arith.addi %mul3A_2, %add3A_479 : i32
    %dma_start3A_481 = arith.constant 1 : i32
    %dma_start3A_482 = arith.constant 1 : i32
    %dma_start3A_483 = arith.constant 0 : i32
    %dma_start3A_484 = arith.constant 0 : i32
    %dma_start3A_485 = tpu.memref_slice %arg4[%dma_start3A_481, %dma_start3A_483, %dma_start3A_484] : memref<3x32x1024xf32, #tpu.memory_space<vmem>> -> memref<1x32x1024xf32, #tpu.memory_space<vmem>>
    %dma_start3A_486 = tpu.memref_squeeze %dma_start3A_485 : memref<1x32x1024xf32, #tpu.memory_space<vmem>> -> memref<32x1024xf32, #tpu.memory_space<vmem>>
    %dma_start3A_487 = arith.constant 0 : i32
    %dma_start3A_488 = tpu.memref_slice %arg3[%add3A_480, %dma_start3A_487] : memref<8192x1024xf32, #tpu.memory_space<hbm>> -> memref<32x1024xf32, #tpu.memory_space<hbm>>
    %dma_start3A_489 = tpu.memref_slice %arg6[%dma_start3A_482] : memref<3x!tpu.dma_semaphore, #tpu.memory_space<semaphore_mem>> -> memref<1x!tpu.dma_semaphore, #tpu.memory_space<semaphore_mem>>
    %dma_start3A_490 = tpu.memref_squeeze %dma_start3A_489 : memref<1x!tpu.dma_semaphore, #tpu.memory_space<semaphore_mem>> -> memref<!tpu.dma_semaphore, #tpu.memory_space<semaphore_mem>>
    %dma_start3A_491 = arith.constant 0 : i32
    %dma_start3A_492 = tpu.memref_slice %arg3[%add3A_480, %dma_start3A_491] : memref<8192x1024xf32, #tpu.memory_space<hbm>> -> memref<32x1024xf32, #tpu.memory_space<hbm>>
    %dma_start3A_493 = arith.constant 0 : i32
    %dma_start3A_494 = arith.constant 0 : i32
    %dma_start3A_495 = tpu.memref_slice %arg4[%dma_start3A_481, %dma_start3A_493, %dma_start3A_494] : memref<3x32x1024xf32, #tpu.memory_space<vmem>> -> memref<1x32x1024xf32, #tpu.memory_space<vmem>>
    %dma_start3A_496 = tpu.memref_squeeze %dma_start3A_495 : memref<1x32x1024xf32, #tpu.memory_space<vmem>> -> memref<32x1024xf32, #tpu.memory_space<vmem>>
    tpu.enqueue_dma source(%dma_start3A_496 : memref<32x1024xf32, #tpu.memory_space<vmem>>) target(%dma_start3A_492 : memref<32x1024xf32, #tpu.memory_space<hbm>>) target_semaphore(%dma_start3A_490 : memref<!tpu.dma_semaphore, #tpu.memory_space<semaphore_mem>>)
    %dma_wait3A_497 = arith.constant 2 : i32
    %dma_wait3A_498 = arith.constant 2 : i32
    %dma_wait3A_499 = arith.constant 0 : i32
    %dma_wait3A_500 = arith.constant 0 : i32
    %dma_wait3A_501 = tpu.memref_slice %arg4[%dma_wait3A_497, %dma_wait3A_499, %dma_wait3A_500] : memref<3x32x1024xf32, #tpu.memory_space<vmem>> -> memref<1x32x1024xf32, #tpu.memory_space<vmem>>
    %dma_wait3A_502 = tpu.memref_squeeze %dma_wait3A_501 : memref<1x32x1024xf32, #tpu.memory_space<vmem>> -> memref<32x1024xf32, #tpu.memory_space<vmem>>
    %dma_wait3A_503 = arith.constant 0 : i32
    %dma_wait3A_504 = tpu.memref_slice %arg3[%add3A_412, %dma_wait3A_503] : memref<8192x1024xf32, #tpu.memory_space<hbm>> -> memref<32x1024xf32, #tpu.memory_space<hbm>>
    %dma_wait3A_505 = tpu.memref_slice %arg6[%dma_wait3A_498] : memref<3x!tpu.dma_semaphore, #tpu.memory_space<semaphore_mem>> -> memref<1x!tpu.dma_semaphore, #tpu.memory_space<semaphore_mem>>
    %dma_wait3A_506 = tpu.memref_squeeze %dma_wait3A_505 : memref<1x!tpu.dma_semaphore, #tpu.memory_space<semaphore_mem>> -> memref<!tpu.dma_semaphore, #tpu.memory_space<semaphore_mem>>
    %dma_wait3A_507 = arith.constant 0 : i32
    %dma_wait3A_508 = tpu.memref_slice %arg3[%add3A_412, %dma_wait3A_507] : memref<8192x1024xf32, #tpu.memory_space<hbm>> -> memref<32x1024xf32, #tpu.memory_space<hbm>>
    %dma_wait3A_509 = arith.constant 0 : i32
    %dma_wait3A_510 = arith.constant 0 : i32
    %dma_wait3A_511 = tpu.memref_slice %arg4[%dma_wait3A_497, %dma_wait3A_509, %dma_wait3A_510] : memref<3x32x1024xf32, #tpu.memory_space<vmem>> -> memref<1x32x1024xf32, #tpu.memory_space<vmem>>
    %dma_wait3A_512 = tpu.memref_squeeze %dma_wait3A_511 : memref<1x32x1024xf32, #tpu.memory_space<vmem>> -> memref<32x1024xf32, #tpu.memory_space<vmem>>
    tpu.wait_dma2 semaphore(%dma_wait3A_506 : memref<!tpu.dma_semaphore, #tpu.memory_space<semaphore_mem>>) src(%dma_wait3A_512 : memref<32x1024xf32, #tpu.memory_space<vmem>>) dst(%dma_wait3A_508 : memref<32x1024xf32, #tpu.memory_space<hbm>>)
    %dma_wait3A_513 = arith.constant 0 : i32
    %dma_wait3A_514 = arith.constant 0 : i32
    %dma_wait3A_515 = arith.constant 0 : i32
    %dma_wait3A_516 = arith.constant 0 : i32
    %dma_wait3A_517 = tpu.memref_slice %arg4[%dma_wait3A_513, %dma_wait3A_515, %dma_wait3A_516] : memref<3x32x1024xf32, #tpu.memory_space<vmem>> -> memref<1x32x1024xf32, #tpu.memory_space<vmem>>
    %dma_wait3A_518 = tpu.memref_squeeze %dma_wait3A_517 : memref<1x32x1024xf32, #tpu.memory_space<vmem>> -> memref<32x1024xf32, #tpu.memory_space<vmem>>
    %dma_wait3A_519 = arith.constant 0 : i32
    %dma_wait3A_520 = tpu.memref_slice %arg3[%add3A_446, %dma_wait3A_519] : memref<8192x1024xf32, #tpu.memory_space<hbm>> -> memref<32x1024xf32, #tpu.memory_space<hbm>>
    %dma_wait3A_521 = tpu.memref_slice %arg6[%dma_wait3A_514] : memref<3x!tpu.dma_semaphore, #tpu.memory_space<semaphore_mem>> -> memref<1x!tpu.dma_semaphore, #tpu.memory_space<semaphore_mem>>
    %dma_wait3A_522 = tpu.memref_squeeze %dma_wait3A_521 : memref<1x!tpu.dma_semaphore, #tpu.memory_space<semaphore_mem>> -> memref<!tpu.dma_semaphore, #tpu.memory_space<semaphore_mem>>
    %dma_wait3A_523 = arith.constant 0 : i32
    %dma_wait3A_524 = tpu.memref_slice %arg3[%add3A_446, %dma_wait3A_523] : memref<8192x1024xf32, #tpu.memory_space<hbm>> -> memref<32x1024xf32, #tpu.memory_space<hbm>>
    %dma_wait3A_525 = arith.constant 0 : i32
    %dma_wait3A_526 = arith.constant 0 : i32
    %dma_wait3A_527 = tpu.memref_slice %arg4[%dma_wait3A_513, %dma_wait3A_525, %dma_wait3A_526] : memref<3x32x1024xf32, #tpu.memory_space<vmem>> -> memref<1x32x1024xf32, #tpu.memory_space<vmem>>
    %dma_wait3A_528 = tpu.memref_squeeze %dma_wait3A_527 : memref<1x32x1024xf32, #tpu.memory_space<vmem>> -> memref<32x1024xf32, #tpu.memory_space<vmem>>
    tpu.wait_dma2 semaphore(%dma_wait3A_522 : memref<!tpu.dma_semaphore, #tpu.memory_space<semaphore_mem>>) src(%dma_wait3A_528 : memref<32x1024xf32, #tpu.memory_space<vmem>>) dst(%dma_wait3A_524 : memref<32x1024xf32, #tpu.memory_space<hbm>>)
    %dma_wait3A_529 = arith.constant 1 : i32
    %dma_wait3A_530 = arith.constant 1 : i32
    %dma_wait3A_531 = arith.constant 0 : i32
    %dma_wait3A_532 = arith.constant 0 : i32
    %dma_wait3A_533 = tpu.memref_slice %arg4[%dma_wait3A_529, %dma_wait3A_531, %dma_wait3A_532] : memref<3x32x1024xf32, #tpu.memory_space<vmem>> -> memref<1x32x1024xf32, #tpu.memory_space<vmem>>
    %dma_wait3A_534 = tpu.memref_squeeze %dma_wait3A_533 : memref<1x32x1024xf32, #tpu.memory_space<vmem>> -> memref<32x1024xf32, #tpu.memory_space<vmem>>
    %dma_wait3A_535 = arith.constant 0 : i32
    %dma_wait3A_536 = tpu.memref_slice %arg3[%add3A_480, %dma_wait3A_535] : memref<8192x1024xf32, #tpu.memory_space<hbm>> -> memref<32x1024xf32, #tpu.memory_space<hbm>>
    %dma_wait3A_537 = tpu.memref_slice %arg6[%dma_wait3A_530] : memref<3x!tpu.dma_semaphore, #tpu.memory_space<semaphore_mem>> -> memref<1x!tpu.dma_semaphore, #tpu.memory_space<semaphore_mem>>
    %dma_wait3A_538 = tpu.memref_squeeze %dma_wait3A_537 : memref<1x!tpu.dma_semaphore, #tpu.memory_space<semaphore_mem>> -> memref<!tpu.dma_semaphore, #tpu.memory_space<semaphore_mem>>
    %dma_wait3A_539 = arith.constant 0 : i32
    %dma_wait3A_540 = tpu.memref_slice %arg3[%add3A_480, %dma_wait3A_539] : memref<8192x1024xf32, #tpu.memory_space<hbm>> -> memref<32x1024xf32, #tpu.memory_space<hbm>>
    %dma_wait3A_541 = arith.constant 0 : i32
    %dma_wait3A_542 = arith.constant 0 : i32
    %dma_wait3A_543 = tpu.memref_slice %arg4[%dma_wait3A_529, %dma_wait3A_541, %dma_wait3A_542] : memref<3x32x1024xf32, #tpu.memory_space<vmem>> -> memref<1x32x1024xf32, #tpu.memory_space<vmem>>
    %dma_wait3A_544 = tpu.memref_squeeze %dma_wait3A_543 : memref<1x32x1024xf32, #tpu.memory_space<vmem>> -> memref<32x1024xf32, #tpu.memory_space<vmem>>
    tpu.wait_dma2 semaphore(%dma_wait3A_538 : memref<!tpu.dma_semaphore, #tpu.memory_space<semaphore_mem>>) src(%dma_wait3A_544 : memref<32x1024xf32, #tpu.memory_space<vmem>>) dst(%dma_wait3A_540 : memref<32x1024xf32, #tpu.memory_space<hbm>>)
    return
  }
}

</mosaic_0001>

<sc_bundles>
// kernel: kernel.3.cloned.1.call-start
scs
__scs_entry_jumppad:
0x0: {  	(pc) =	sbr.rel $0x88, $3  }
0x1: {  	(tag) =	ssettag $0x0;
	lr =	simm.s32 $0x1  }
0x2: {  	[smem:$0x3FA0] =	sst lr;
	_ =	strace $0xD0000000  }
0x3: {  	_ = 	snop  }
0x4: {  	_ = 	snop  }
0x5: {  	_ = 	snop  }
0x6: {  	_ = 	snop  }
0x7: {  	_ = 	snop  }
__scs_overlays_trampoline_lowered:
0x8: {  	[smem:$0x3FAF] =	sst s0  }
0x9: {  	[smem:$0x3FB0] =	sst s1  }
0xa: {  	[smem:$0x3FB1] =	sst s2  }
0xb: {  	[smem:$0x3FB2] =	sst s3  }
0xc: {  	[smem:$0x3FB3] =	sst s4  }
0xd: {  	[smem:$0x3FB4] =	sst s5  }
0xe: {  	[smem:$0x3FB5] =	sst s6  }
0xf: {  	[smem:$0x3FB6] =	sst s7  }
0x10: {  	[smem:$0x3FB7] =	sst s8  }
0x11: {  	[smem:$0x3FB8] =	sst s9;
	s0 =	simm.s32 @!p0 $0x0  }
0x12: {  	s1 =	sld [smem:$0x3F9E];
	s0 =	simm.s32 @p0 $0x1  }
0x13: {  	[smem:$0x3FB9] =	sst s0;
	s0 =	simm.s32 @!p1 $0x0  }
0x14: {  	s2 =	sld [smem:$0x3F9D];
	s0 =	simm.s32 @p1 $0x1  }
0x15: {  	[smem:$0x3FBA] =	sst s0;
	s0 =	simm.s32 @!p2 $0x0  }
0x16: {  	s3 =	sld [smem:$0x3FDB];
	s0 =	simm.s32 @p2 $0x1  }
0x17: {  	s4 =	simm.s32 $0x1BF5;
	[smem:$0x3FBC] =	sst s0  }
0x18: {  	s0 =	sld [smem:$0x3F9F];
	_ =	swait.ge [sflag:s4], $0x0  }
0x19: {  	s7 =	sld [smem:$0x3FA0]  }
0x1a: {  	s8 =	sadd.s32 $0xFFFFE003, lr  }
0x1b: {  	s9 =	sadd.s32 $0xFFFFFEF7, lr;
	s5 =	simm.s32 $0xFFFFFFFF;
	p2 =	slt.u32 s8, $0xFFFFF086  }
0x1c: {  	p1 =	slt.u32 s9, $0xF7A;
	s5 =	simm.s32 @!p2 $0x0  }
0x1d: {  	s5 =	simm.s32 @p1 $0x1;
	p0 =	seq.s32 s7, s2  }
0x1e: {  	s7 =	smul.u32 @!p0 $0xF7A, s2;
	p2 =	seq.s32 @!p0 s5, $0x0  }
0x1f: {  	s9 =	smul.u32 $0xF7A, s1;
	s8 =	simm.s32 @!p0 $0x1BF5;
	p2 =	por !p2, p0  }
0x20: {  	[sflag:s8] =	ssyncset.s32 @!p0 $0xFFFFF086;
	s6 =	sadd.s32 @!p0 s3, s7;
	s7 =	simm.s32 @!p0 $0x108  }
0x21: {  	s3 =	sadd.s32 s3, s9;
	s6 =	sadd.s32 @!p0 $0x88, s6;
	s7 =	simm.s32 @p2 $0x1082  }
0x22: {  	[simem:s7], [sflag:s8] =	dma.local @!p0 [hbm:s6], $0xF7A  }
0x23: {  	s9 =	sor.u32 $0xD0000000, s2;
	s6 =	simm.s32 $0x108;
	_ =	swait.ge @!p0 [sflag:s8], $0x0  }
0x24: {  	s3 =	sadd.s32 $0x88, s3;
	s6 =	simm.s32 @!p1 $0x1082;
	[sflag:s4] =	ssyncset.s32 $0xFFFFF086  }
0x25: {  	[simem:s6], [sflag:s4] =	dma.local [hbm:s3], $0xF7A  }
0x26: {  	[smem:$0x3FA0] =	sst s1;
	(tag) =	ssettag s2;
	_ =	strace s9  }
0x27: {  	s1 =	sld [smem:$0x3FB0]  }
0x28: {  	s2 =	sld [smem:$0x3FB1]  }
0x29: {  	s4 =	sld [smem:$0x3FB3]  }
0x2a: {  	p0 =	seq.s32 s5, $0x0;
	s5 =	sld [smem:$0x3FB4]  }
0x2b: {  	s6 =	sld [smem:$0x3FB5]  }
0x2c: {  	s7 =	sld [smem:$0x3FB6]  }
0x2d: {  	s3 =	simm.s32 $0x108;
	s8 =	sld [smem:$0x3FB7]  }
0x2e: {  	s3 =	simm.s32 @!p0 $0x1082;
	s9 =	sld [smem:$0x3FB8]  }
0x2f: {  	lr =	sadd.s32 s0, s3;
	s0 =	sld [smem:$0x3FAF]  }
0x30: {  	s3 =	sld [smem:$0x3FB2]  }
0x31: {  	[smem:$0x3FBB] =	sst s10  }
0x32: {  	s10 =	sld [smem:$0x3FB9];
	_ =	sdelay $0x3  }
0x33: {  	p0 =	seq.s32 s10, $0x1;
	s10 =	sld [smem:$0x3FBB];
	_ =	sdelay $0x3  }
0x34: {  	[smem:$0x3FBB] =	sst s10  }
0x35: {  	s10 =	sld [smem:$0x3FBA];
	_ =	sdelay $0x3  }
0x36: {  	p1 =	seq.s32 s10, $0x1;
	s10 =	sld [smem:$0x3FBB];
	_ =	sdelay $0x3  }
0x37: {  	[smem:$0x3FBB] =	sst s10  }
0x38: {  	s10 =	sld [smem:$0x3FBC]  }
0x39: {  	_ = 	snop;
	(pc) =	sbr.ind lr, $3  }
0x3a: {  	_ = 	snop  }
0x3b: {  	_ = 	snop  }
0x3c: {  	p2 =	seq.s32 s10, $0x1;
	s10 =	sld [smem:$0x3FBB]  }
0x3d: {  	_ =	shalt  }
0x3e: {  	_ =	shalt  }
0x3f: {  	_ =	shalt  }
0x40: {  	_ =	shalt  }
0x41: {  	_ =	shalt  }
0x42: {  	_ =	shalt  }
0x43: {  	_ =	shalt  }
0x44: {  	_ =	shalt  }
0x45: {  	_ =	shalt  }
0x46: {  	_ =	shalt  }
0x47: {  	_ =	shalt  }
0x48: {  	_ =	shalt  }
0x49: {  	_ =	shalt  }
0x4a: {  	_ =	shalt  }
0x4b: {  	_ =	shalt  }
0x4c: {  	_ =	shalt  }
0x4d: {  	_ =	shalt  }
0x4e: {  	_ =	shalt  }
0x4f: {  	_ =	shalt  }
0x50: {  	_ =	shalt  }
0x51: {  	_ =	shalt  }
0x52: {  	_ =	shalt  }
0x53: {  	_ =	shalt  }
0x54: {  	_ =	shalt  }
0x55: {  	_ =	shalt  }
0x56: {  	_ =	shalt  }
0x57: {  	_ =	shalt  }
0x58: {  	_ =	shalt  }
0x59: {  	_ =	shalt  }
0x5a: {  	_ =	shalt  }
0x5b: {  	_ =	shalt  }
0x5c: {  	_ =	shalt  }
0x5d: {  	_ =	shalt  }
0x5e: {  	_ =	shalt  }
0x5f: {  	_ =	shalt  }
0x60: {  	_ =	shalt  }
0x61: {  	_ =	shalt  }
0x62: {  	_ =	shalt  }
0x63: {  	_ =	shalt  }
0x64: {  	_ =	shalt  }
0x65: {  	_ =	shalt  }
0x66: {  	_ =	shalt  }
0x67: {  	_ =	shalt  }
0x68: {  	_ =	shalt  }
0x69: {  	_ =	shalt  }
0x6a: {  	_ =	shalt  }
0x6b: {  	_ =	shalt  }
0x6c: {  	_ =	shalt  }
0x6d: {  	_ =	shalt  }
0x6e: {  	_ =	shalt  }
0x6f: {  	_ =	shalt  }
0x70: {  	_ =	shalt  }
0x71: {  	_ =	shalt  }
0x72: {  	_ =	shalt  }
0x73: {  	_ =	shalt  }
0x74: {  	_ =	shalt  }
0x75: {  	_ =	shalt  }
0x76: {  	_ =	shalt  }
0x77: {  	_ =	shalt  }
0x78: {  	_ =	shalt  }
0x79: {  	_ =	shalt  }
0x7a: {  	_ =	shalt  }
0x7b: {  	_ =	shalt  }
0x7c: {  	_ =	shalt  }
0x7d: {  	_ =	shalt  }
0x7e: {  	_ =	shalt  }
0x7f: {  	_ =	shalt  }
0x80: {  	_ =	shalt  }
0x81: {  	_ =	shalt  }
0x82: {  	_ =	shalt  }
0x83: {  	_ =	shalt  }
0x84: {  	_ =	shalt  }
0x85: {  	_ =	shalt  }
0x86: {  	_ =	shalt  }
0x87: {  	_ =	shalt  }
.Lfunc_end0:
.L_simem_size_0:
called_computation_lowered:
.L_overlay_start_0:
0x88: {  	s2 =	sld [smem:$0x3FD9]  }
0x89: {  	s3 =	sld [smem:$0x3FFE];
	_ =	sdelay $0x1  }
0x8a: {  	s1 =	srdreg.scid  }
0x8b: {  	s0 =	sand.u32 $0x1, s1  }
0x8c: {  	s18 =	sshll.u32 s0, $0xA;
	s2 =	sadd.s32 s3, s2  }
0x8d: {  	s2 =	sadd.s32 s2, s18  }
0x8e: {  	[smem:$0x3FC7] =	sst s2  }
0x8f: {  	_ = 	snop  }
0x90: {  	s2 =	sld [smem:$0x3FC9]  }
0x91: {  	s19 =	sld [smem:$0x3FD0];
	(tm) =	ssettm $0x1  }
0x92: {  	s4 =	sld [smem:$0x3FFB];
	_ =	sdelay $0x3  }
0x93: {  	_ =	strace s4  }
0x94: {  	s4 =	sld [smem:$0x3FFC];
	_ =	sdelay $0x3  }
0x95: {  	_ =	strace s4  }
0x96: {  	s4 =	sld [smem:$0x3FFD];
	_ =	sdelay $0x3  }
0x97: {  	_ =	strace s4  }
0x98: {  	_ =	strace $0x8FFFFFFF  }
0x99: {  	s20 =	sld [smem:$0x3FDB];
	_ =	sdelay $0x1  }
0x9a: {  	s5 =	simm.s32 $_scs_section_size  }
0x9b: {  	s6 =	simm.s32 $_size__tile_overlayer_lowered;
	s7 =	simm.s32 $_tile_overlayer_lowered  }
0x9c: {  	s23 =	simm.s32 $0x1BFF;
	s22 =	sshll.u32 s7, $0x1;
	s4 =	sadd.s32 s5, s20  }
0x9d: {  	s8 =	simm.s32 $0x0;
	s21 =	sshll.u32 s6, $0x1;
	s6 =	sadd.s32 s22, s4  }
0x9e: {  	[timem:s8], [sflag:s23] =	dma.local [hbm:s6], s21  }
0x9f: {  	_ =	swait.ge [sflag:s23], s21  }
0xa0: {  	s5 =	ssub.s32 $0x0, s21;
	[sflag:s23] =	ssyncset.done $0x0  }
0xa1: {  	[sflag:s23] =	ssyncadd.s32 s5;
	_ =	sdelay $0x1  }
0xa2: {  	s24 =	simm.s32 $0x1B8B  }
0xa3: {  	_ =	swait.ge [sflag:s24], $0x1  }
0xa4: {  	[sflag:s24] =	ssyncset.done $0x0  }
0xa5: {  	s25 =	simm.s32 $0x1B8E;
	[sflag:s24] =	ssyncadd.s32 $0xFFFFFFFF  }
0xa6: {  	s26 =	simm.s32 $execute0_lowered;
	[smem:$0x3FD2] =	sst s25  }
0xa7: {  	s5 =	sshll.u32 s26, $0x1;
	_ =	strace $0x80000046;
	[dreg:$0x1] =	wrdreg $0xFFFFFFFF  }
0xa8: {  	s28 =	simm.s32 $_size_execute0_lowered;
	s4 =	sadd.s32 s4, s5;
	[dreg:$0x0] =	wrdreg $0x0  }
0xa9: {  	s5 =	sshll.u32 s28, $0x1;
	[dreg:$0x2] =	wrdreg s4  }
0xaa: {  	[dreg:$0x3] =	wrdreg s5  }
0xab: {  	[dreg:$0x4] =	wrdreg $0xC0  }
0xac: {  	_ =	task [dreg:s8], $0x5FFFF  }
0xad: {  	[dreg:$0x1] =	wrdreg $0xFFFFFFFF  }
0xae: {  	[dreg:$0x0] =	wrdreg $0x60  }
0xaf: {  	[dreg:$0x2] =	wrdreg s2  }
0xb0: {  	[dreg:$0x3] =	wrdreg s19  }
0xb1: {  	[dreg:$0x4] =	wrdreg $0x9  }
0xb2: {  	_ =	task.clear_ibuf [dreg:s8], $0x5FFFF;
	_ =	strace $0x90000046  }
0xb3: {  	s29 =	simm.s32 $0x9;
	_ =	strace $0x80000048  }
0xb4: {  	_ =	swait.ge [sflag:s29], $0x1  }
0xb5: {  	[sflag:s29] =	ssyncadd.s32 $0xFFFFFFFF  }
0xb6: {  	_ =	strace $0x90000048  }
0xb7: {  	_ =	sfence  }
0xb8: {  	s30 =	sld [smem:$0x0];
	_ =	sdelay $0x2  }
0xb9: {  	s31 =	sshll.u32 s1, $0xD;
	s1 =	sshrl.u32 s1, $0x2  }
0xba: {  	s3 =	sand.u32 $0x4000, s31;
	s1 =	sadd.s32 s1, s30  }
0xbb: {  	s0 =	sor.u32 s3, s0;
	s1 =	sshll.u32 s1, $0x11  }
0xbc: {  	s0 =	sor.u32 s1, s0  }
0xbd: {  	s0 =	sadd.s32 $0x8F2B, s0  }
0xbe: {  	[sflag:s0] =	ssyncadd.remote.s32 $0x1  }
0xbf: {  	_ =	sfence.sel $0xFFFF  }
0xc0: {  	[dreg:$0x0] =	wrdreg $0xFFFFFFFF;
	(pc) =	sbr.abs _section_cstart, $3  }
0xc1: {  	[dreg:$0x1] =	wrdreg $0xFFFFFFFF  }
0xc2: {  	_ =	task.clear_ibuf [dreg:s8], $0x2FFFF;
	_ =	strace $0x9FFFFFFF  }
0xc3: {  	(tm) =	ssettm $0x7FFFFFFF  }
tec
execute0_lowered:
.L_overlay_start_1:
0x0: {  	(tag) =	ssettag $0x1  }
0x1: {  	s23 =	rddreg [dreg:$0x0]  }
0x2: {  	s26 =	rddreg [dreg:$0x1];
	s2 =	srdreg.scid  }
0x3: {  	s0 =	rddreg [dreg:$0x2];
	s1 =	stileid.u32;
	s28 =	sand.u32 $0x1, s2  }
0x4: {  	s2 =	simm.s32 $0x0;
	s3 =	sshll.u32 s1, $0x10;
	s4 =	sshll.u32 s28, $0xF  }
0x5: {  	[smem:$0x7FF] =	sst s2;
	s24 =	sor.u32 s4, s3  }
0x6: {  	_ =	strace $0x80000047;
	s3 =	sadd.s32 s23, s24;
	s13 =	sor.u32 $0x1000, s24  }
0x7: {  	[tilespmem:s2], [sflag:$0x1] =	stream.linear.gather [hbm4b:s3+s2], $0x8000, $0x38;
	[tilespmem:$0x18000] =	vst v63  }
0x8: {  	s5 =	simm.s32 $0x8000;
	s17 =	sor.u32 $0x2000, s24;
	s4 =	sadd.s32 s23, s13  }
0x9: {  	[tilespmem:s5], [sflag:$0x2] =	stream.linear.gather [hbm4b:s4+s2], $0x8000, $0x38;
	[tilespmem:$0x18000] =	vst v63  }
0xa: {  	s7 =	simm.s32 $0x10000;
	s8 =	simm.s32 $0x1;
	s6 =	sadd.s32 s23, s17  }
0xb: {  	[tilespmem:s7], [sflag:$0x3] =	stream.linear.gather [hbm4b:s6+s2], $0x8000, $0x38;
	[tilespmem:$0x18000] =	vst v63  }
0xc: {  	_ =	swait.ge [sflag:s8], $0x8000  }
0xd: {  	[sflag:s8] =	ssyncset.done $0x0  }
0xe: {  	s10 =	simm.s32 $0x4;
	s9 =	sadd.s32 s26, s24;
	[sflag:s8] =	ssyncadd.s32 $0xFFFF8000  }
0xf: {  	[hbm4b:s9+s2] =	stream.linear.scatter [tilespmem:s2], [sflag:$0x4], $0x8000, $0x38;
	[tilespmem:$0x18000] =	vst v63  }
0x10: {  	_ =	swait.ge [sflag:s10], $0x8000  }
0x11: {  	s20 =	sor.u32 $0x3000, s24;
	[sflag:s10] =	ssyncset.done $0x0  }
0x12: {  	s12 =	simm.s32 $0x2;
	s11 =	sadd.s32 s23, s20;
	[sflag:s10] =	ssyncadd.s32 $0xFFFF8000  }
0x13: {  	[tilespmem:s2], [sflag:$0x1] =	stream.linear.gather [hbm4b:s11+s2], $0x8000, $0x38;
	[tilespmem:$0x18000] =	vst v63  }
0x14: {  	_ =	swait.ge [sflag:s12], $0x8000  }
0x15: {  	[sflag:s12] =	ssyncset.done $0x0  }
0x16: {  	s14 =	sadd.s32 s26, s13;
	s13 =	simm.s32 $0x5;
	[sflag:s12] =	ssyncadd.s32 $0xFFFF8000  }
0x17: {  	[hbm4b:s14+s2] =	stream.linear.scatter [tilespmem:s5], [sflag:$0x5], $0x8000, $0x38;
	[tilespmem:$0x18000] =	vst v63  }
0x18: {  	_ =	swait.ge [sflag:s13], $0x8000  }
0x19: {  	s22 =	sor.u32 $0x4000, s24;
	[sflag:s13] =	ssyncset.done $0x0  }
0x1a: {  	s16 =	simm.s32 $0x3;
	s15 =	sadd.s32 s23, s22;
	[sflag:s13] =	ssyncadd.s32 $0xFFFF8000  }
0x1b: {  	[tilespmem:s5], [sflag:$0x2] =	stream.linear.gather [hbm4b:s15+s2], $0x8000, $0x38;
	[tilespmem:$0x18000] =	vst v63  }
0x1c: {  	_ =	swait.ge [sflag:s16], $0x8000  }
0x1d: {  	[sflag:s16] =	ssyncset.done $0x0  }
0x1e: {  	s18 =	simm.s32 $0x6;
	s17 =	sadd.s32 s26, s17;
	[sflag:s16] =	ssyncadd.s32 $0xFFFF8000  }
0x1f: {  	[hbm4b:s17+s2] =	stream.linear.scatter [tilespmem:s7], [sflag:$0x6], $0x8000, $0x38;
	[tilespmem:$0x18000] =	vst v63  }
0x20: {  	_ =	swait.ge [sflag:s18], $0x8000  }
0x21: {  	s25 =	sor.u32 $0x5000, s24;
	[sflag:s18] =	ssyncset.done $0x0  }
0x22: {  	s19 =	sadd.s32 s23, s25;
	[sflag:s18] =	ssyncadd.s32 $0xFFFF8000  }
0x23: {  	[tilespmem:s7], [sflag:$0x3] =	stream.linear.gather [hbm4b:s19+s2], $0x8000, $0x38;
	[tilespmem:$0x18000] =	vst v63  }
0x24: {  	_ =	swait.ge [sflag:s8], $0x8000  }
0x25: {  	[sflag:s8] =	ssyncset.done $0x0  }
0x26: {  	s20 =	sadd.s32 s26, s20;
	[sflag:s8] =	ssyncadd.s32 $0xFFFF8000  }
0x27: {  	[hbm4b:s20+s2] =	stream.linear.scatter [tilespmem:s2], [sflag:$0x4], $0x8000, $0x38;
	[tilespmem:$0x18000] =	vst v63  }
0x28: {  	_ =	swait.ge [sflag:s10], $0x8000  }
0x29: {  	s29 =	sor.u32 $0x6000, s24;
	[sflag:s10] =	ssyncset.done $0x0  }
0x2a: {  	s21 =	sadd.s32 s23, s29;
	[sflag:s10] =	ssyncadd.s32 $0xFFFF8000  }
0x2b: {  	[tilespmem:s2], [sflag:$0x1] =	stream.linear.gather [hbm4b:s21+s2], $0x8000, $0x38;
	[tilespmem:$0x18000] =	vst v63  }
0x2c: {  	_ =	swait.ge [sflag:s12], $0x8000  }
0x2d: {  	[sflag:s12] =	ssyncset.done $0x0  }
0x2e: {  	s22 =	sadd.s32 s26, s22;
	[sflag:s12] =	ssyncadd.s32 $0xFFFF8000  }
0x2f: {  	[hbm4b:s22+s2] =	stream.linear.scatter [tilespmem:s5], [sflag:$0x5], $0x8000, $0x38;
	[tilespmem:$0x18000] =	vst v63  }
0x30: {  	_ =	swait.ge [sflag:s13], $0x8000  }
0x31: {  	s30 =	sor.u32 $0x7000, s24;
	[sflag:s13] =	ssyncset.done $0x0  }
0x32: {  	s23 =	sadd.s32 s23, s30;
	[sflag:s13] =	ssyncadd.s32 $0xFFFF8000  }
0x33: {  	[tilespmem:s5], [sflag:$0x2] =	stream.linear.gather [hbm4b:s23+s2], $0x8000, $0x38;
	[tilespmem:$0x18000] =	vst v63  }
0x34: {  	_ =	swait.ge [sflag:s16], $0x8000  }
0x35: {  	[sflag:s16] =	ssyncset.done $0x0  }
0x36: {  	s24 =	sadd.s32 s26, s25;
	[sflag:s16] =	ssyncadd.s32 $0xFFFF8000  }
0x37: {  	[hbm4b:s24+s2] =	stream.linear.scatter [tilespmem:s7], [sflag:$0x6], $0x8000, $0x38;
	[tilespmem:$0x18000] =	vst v63  }
0x38: {  	_ =	swait.ge [sflag:s8], $0x8000  }
0x39: {  	[sflag:s8] =	ssyncset.done $0x0  }
0x3a: {  	s25 =	sadd.s32 s26, s29;
	[sflag:s8] =	ssyncadd.s32 $0xFFFF8000  }
0x3b: {  	[hbm4b:s25+s2] =	stream.linear.scatter [tilespmem:s2], [sflag:$0x4], $0x8000, $0x38;
	[tilespmem:$0x18000] =	vst v63  }
0x3c: {  	_ =	swait.ge [sflag:s12], $0x8000  }
0x3d: {  	s28 =	ssub.s32 $0x2, s28;
	[sflag:s12] =	ssyncset.done $0x0  }
0x3e: {  	s31 =	sshrl.u32 s28, $0x1;
	s26 =	sadd.s32 s26, s30;
	[sflag:s12] =	ssyncadd.s32 $0xFFFF8000  }
0x3f: {  	[hbm4b:s26+s2] =	stream.linear.scatter [tilespmem:s5], [sflag:$0x5], $0x8000, $0x38;
	[tilespmem:$0x18000] =	vst v63  }
0x40: {  	s28 =	ssub.s32 s28, s31;
	_ =	swait.ge [sflag:s18], $0x8000  }
0x41: {  	s28 =	smax.u32 s28, $0x1;
	[sflag:s18] =	ssyncset.done $0x0  }
0x42: {  	p0 =	sne.s32 s28, $0x1;
	[sflag:s18] =	ssyncadd.s32 $0xFFFF8000  }
.Ltmp0:
0x43: {  	_ =	swait.ge [sflag:s10], $0x8000;
	(pc) =	sbr.rel @!p0 .LBB2_2-.Ltmp0, $4  }
0x44: {  	[sflag:s10] =	ssyncset.done $0x0  }
0x45: {  	[sflag:s10] =	ssyncadd.s32 $0xFFFF8000  }
0x46: {  	_ =	swait.ge [sflag:s13], $0x8000  }
0x47: {  	s28 =	sadd.s32 $0xFFFFFFFF, s28;
	[sflag:s13] =	ssyncset.done $0x0  }
.LBB2_1:
0x48: {  	p0 =	sne.s32 s28, $0x1;
	s28 =	sadd.s32 $0xFFFFFFFF, s28;
	[sflag:s13] =	ssyncadd.s32 $0xFFFF8000  }
0x49: {  	[tilespmem:s2], [sflag:$0x1] =	stream.linear.gather [hbm4b:s3+s2], $0x8000, $0x38;
	[tilespmem:$0x18000] =	vst v63  }
0x4a: {  	_ = 	snop  }
0x4b: {  	[tilespmem:s5], [sflag:$0x2] =	stream.linear.gather [hbm4b:s4+s2], $0x8000, $0x38;
	[tilespmem:$0x18000] =	vst v63  }
0x4c: {  	_ = 	snop  }
0x4d: {  	[tilespmem:s7], [sflag:$0x3] =	stream.linear.gather [hbm4b:s6+s2], $0x8000, $0x38;
	[tilespmem:$0x18000] =	vst v63  }
0x4e: {  	_ =	swait.ge [sflag:s8], $0x8000  }
0x4f: {  	[sflag:s8] =	ssyncset.done $0x0  }
0x50: {  	[sflag:s8] =	ssyncadd.s32 $0xFFFF8000  }
0x51: {  	[hbm4b:s9+s2] =	stream.linear.scatter [tilespmem:s2], [sflag:$0x4], $0x8000, $0x38;
	[tilespmem:$0x18000] =	vst v63  }
0x52: {  	_ =	swait.ge [sflag:s10], $0x8000  }
0x53: {  	[sflag:s10] =	ssyncset.done $0x0  }
0x54: {  	[sflag:s10] =	ssyncadd.s32 $0xFFFF8000  }
0x55: {  	[tilespmem:s2], [sflag:$0x1] =	stream.linear.gather [hbm4b:s11+s2], $0x8000, $0x38;
	[tilespmem:$0x18000] =	vst v63  }
0x56: {  	_ =	swait.ge [sflag:s12], $0x8000  }
0x57: {  	[sflag:s12] =	ssyncset.done $0x0  }
0x58: {  	[sflag:s12] =	ssyncadd.s32 $0xFFFF8000  }
0x59: {  	[hbm4b:s14+s2] =	stream.linear.scatter [tilespmem:s5], [sflag:$0x5], $0x8000, $0x38;
	[tilespmem:$0x18000] =	vst v63  }
0x5a: {  	_ =	swait.ge [sflag:s13], $0x8000  }
0x5b: {  	[sflag:s13] =	ssyncset.done $0x0  }
0x5c: {  	[sflag:s13] =	ssyncadd.s32 $0xFFFF8000  }
0x5d: {  	[tilespmem:s5], [sflag:$0x2] =	stream.linear.gather [hbm4b:s15+s2], $0x8000, $0x38;
	[tilespmem:$0x18000] =	vst v63  }
0x5e: {  	_ =	swait.ge [sflag:s16], $0x8000  }
0x5f: {  	[sflag:s16] =	ssyncset.done $0x0  }
0x60: {  	[sflag:s16] =	ssyncadd.s32 $0xFFFF8000  }
0x61: {  	[hbm4b:s17+s2] =	stream.linear.scatter [tilespmem:s7], [sflag:$0x6], $0x8000, $0x38;
	[tilespmem:$0x18000] =	vst v63  }
0x62: {  	_ =	swait.ge [sflag:s18], $0x8000  }
0x63: {  	[sflag:s18] =	ssyncset.done $0x0  }
0x64: {  	[sflag:s18] =	ssyncadd.s32 $0xFFFF8000  }
0x65: {  	[tilespmem:s7], [sflag:$0x3] =	stream.linear.gather [hbm4b:s19+s2], $0x8000, $0x38;
	[tilespmem:$0x18000] =	vst v63  }
0x66: {  	_ =	swait.ge [sflag:s8], $0x8000  }
0x67: {  	[sflag:s8] =	ssyncset.done $0x0  }
0x68: {  	[sflag:s8] =	ssyncadd.s32 $0xFFFF8000  }
0x69: {  	[hbm4b:s20+s2] =	stream.linear.scatter [tilespmem:s2], [sflag:$0x4], $0x8000, $0x38;
	[tilespmem:$0x18000] =	vst v63  }
0x6a: {  	_ =	swait.ge [sflag:s10], $0x8000  }
0x6b: {  	[sflag:s10] =	ssyncset.done $0x0  }
0x6c: {  	[sflag:s10] =	ssyncadd.s32 $0xFFFF8000  }
0x6d: {  	[tilespmem:s2], [sflag:$0x1] =	stream.linear.gather [hbm4b:s21+s2], $0x8000, $0x38;
	[tilespmem:$0x18000] =	vst v63  }
0x6e: {  	_ =	swait.ge [sflag:s12], $0x8000  }
0x6f: {  	[sflag:s12] =	ssyncset.done $0x0  }
0x70: {  	[sflag:s12] =	ssyncadd.s32 $0xFFFF8000  }
0x71: {  	[hbm4b:s22+s2] =	stream.linear.scatter [tilespmem:s5], [sflag:$0x5], $0x8000, $0x38;
	[tilespmem:$0x18000] =	vst v63  }
0x72: {  	_ =	swait.ge [sflag:s13], $0x8000  }
0x73: {  	[sflag:s13] =	ssyncset.done $0x0  }
0x74: {  	[sflag:s13] =	ssyncadd.s32 $0xFFFF8000  }
0x75: {  	[tilespmem:s5], [sflag:$0x2] =	stream.linear.gather [hbm4b:s23+s2], $0x8000, $0x38;
	[tilespmem:$0x18000] =	vst v63  }
0x76: {  	_ =	swait.ge [sflag:s16], $0x8000  }
0x77: {  	[sflag:s16] =	ssyncset.done $0x0  }
0x78: {  	[sflag:s16] =	ssyncadd.s32 $0xFFFF8000  }
0x79: {  	[hbm4b:s24+s2] =	stream.linear.scatter [tilespmem:s7], [sflag:$0x6], $0x8000, $0x38;
	[tilespmem:$0x18000] =	vst v63  }
0x7a: {  	_ =	swait.ge [sflag:s8], $0x8000  }
0x7b: {  	[sflag:s8] =	ssyncset.done $0x0  }
0x7c: {  	[sflag:s8] =	ssyncadd.s32 $0xFFFF8000  }
0x7d: {  	[hbm4b:s25+s2] =	stream.linear.scatter [tilespmem:s2], [sflag:$0x4], $0x8000, $0x38;
	[tilespmem:$0x18000] =	vst v63  }
0x7e: {  	_ =	swait.ge [sflag:s12], $0x8000  }
0x7f: {  	[sflag:s12] =	ssyncset.done $0x0  }
0x80: {  	[sflag:s12] =	ssyncadd.s32 $0xFFFF8000  }
0x81: {  	[hbm4b:s26+s2] =	stream.linear.scatter [tilespmem:s5], [sflag:$0x5], $0x8000, $0x38;
	[tilespmem:$0x18000] =	vst v63  }
0x82: {  	_ =	swait.ge [sflag:s18], $0x8000  }
0x83: {  	[sflag:s18] =	ssyncset.done $0x0  }
0x84: {  	[sflag:s18] =	ssyncadd.s32 $0xFFFF8000  }
.Ltmp1:
0x85: {  	_ =	swait.ge [sflag:s10], $0x8000;
	(pc) =	sbr.rel @p0 .LBB2_1-.Ltmp1, $4  }
0x86: {  	[sflag:s10] =	ssyncset.done $0x0  }
0x87: {  	[sflag:s10] =	ssyncadd.s32 $0xFFFF8000  }
0x88: {  	_ =	swait.ge [sflag:s13], $0x8000  }
0x89: {  	[sflag:s13] =	ssyncset.done $0x0  }
.LBB2_2:
0x8a: {  	[sflag:s13] =	ssyncadd.s32 $0xFFFF8000  }
0x8b: {  	_ =	sfence.sel $0x180000  }
0x8c: {  	[bflag:$0x0] =	sbarrier.arrive $0xFFFF  }
0x8d: {  	p0 =	sne.s32 s1, $0x0;
	_ =	strace $0x90000047  }
0x8e: {  	s0 =	sadd.s32 @!p0 $0x100000, s0;
	[bflag:$0x2] =	sbarrier.arrive $0xFFFF  }
0x8f: {  	[sflag:s0] =	ssyncadd.tile.s32 @!p0 $0x1;
	_ =	shalt  }
.Lfunc_end2:
_tile_overlayer_lowered:
.L_overlay_start_2:
0x90: {  	(tag) =	ssettag $0x2  }
0x91: {  	s0 =	rddreg [dreg:$0x0];
	s2 =	stileid.u32  }
0x92: {  	s1 =	rddreg [dreg:$0x1];
	p0 =	sne.s32 s2, $0x0  }
0x93: {  	s3 =	rddreg [dreg:$0x2];
	[bflag:$0x3] =	sbarrier.arrive $0xFFFF;
	s2 =	simm.s32 @!p0 $0x1C07  }
0x94: {  	[timem:s3], [sflag:s2] =	dma.local @!p0 [hbm:s0], s1  }
0x95: {  	s0 =	simm.s32 @!p0 $0x7  }
0x96: {  	_ =	swait.ge @!p0 [sflag:s0], s1  }
0x97: {  	s1 =	ssub.s32 @!p0 $0x0, s1;
	[sflag:s0] =	ssyncset.done @!p0 $0x0  }
0x98: {  	[sflag:s0] =	ssyncadd.s32 @!p0 s1  }
0x99: {  	[bflag:$0x3] =	sbarrier.arrive $0xFFFF  }
0x9a: {  	_ =	shalt  }

</sc_bundles>
